<compile_context>
chip_gen: v7x
topology: tpu7x:2x2x1
jax: 0.10.2.dev20260603
libtpu: 0.0.44.dev20260713+nightly
codegen_flags: <defaults>
</compile_context>

<pallas_src>
import functools

import jax
import jax.numpy as jnp
from jax import lax
from jax.experimental import pallas as pl
from jax.experimental.pallas import tpu as pltpu
from jax.experimental.pallas import tpu_sc as plsc

VOCAB = 100000
EMBED = 300
NUM_IDX = 1024 * 50

_NC = 2
_NS = 16
_NW = _NC * _NS

PER_W = NUM_IDX // _NW
R = 80
NCH = PER_W // R
UPR = 20
NU = VOCAB * EMBED // 16

_mesh = plsc.VectorSubcoreMesh(core_axis_name="c", subcore_axis_name="s")


@functools.partial(
    pl.kernel,
    mesh=_mesh,
    out_type=jax.ShapeDtypeStruct((NUM_IDX, EMBED), jnp.float32),
    compiler_params=pltpu.CompilerParams(
        use_tc_tiling_on_sc=False, needs_layout_passes=False
    ),
    scratch_types=[
        pltpu.VMEM((PER_W,), jnp.int32),
        pltpu.VMEM((2, R * UPR), jnp.int32),
        pltpu.VMEM((2, R * UPR, 16), jnp.float32),
        pltpu.VMEM((2, R, EMBED), jnp.float32),
        pltpu.SemaphoreType.DMA,
        pltpu.SemaphoreType.DMA((2,)),
        pltpu.SemaphoreType.DMA((2,)),
    ],
)
def _gather_sc(t16_hbm, idx_hbm, out_hbm, idx_v, ulist, raw, packed, sem_idx,
               sem_g, sem_o):
    wid = lax.axis_index("s") * _NC + lax.axis_index("c")
    base = wid * PER_W
    iota = lax.broadcasted_iota(jnp.int32, (16,), 0)

    pltpu.async_copy(idx_hbm.at[pl.ds(base, PER_W)], idx_v, sem_idx).wait()

    def build_and_fire(c, b):
        def group(g, carry):
            ivec = idx_v[pl.ds(c * R + g * 16, 16)]
            u0 = lax.shift_right_logical(ivec * EMBED, 4)
            rpos = (g * 16 + iota) * UPR

            def unit(k, carry2):
                plsc.store_scatter(
                    ulist.at[b], [rpos + k], jnp.minimum(u0 + k, NU - 1))
                return carry2

            return lax.fori_loop(0, UPR, unit, carry)

        lax.fori_loop(0, R // 16, group, 0)
        pltpu.async_copy(t16_hbm.at[ulist.at[b]], raw.at[b], sem_g.at[b])

    def wait_gather(b):
        pltpu.make_async_copy(
            t16_hbm.at[pl.ds(0, R * UPR)], raw.at[b], sem_g.at[b]
        ).wait()

    def wait_out(b, c):
        pltpu.make_async_copy(
            packed.at[b],
            out_hbm.at[pl.ds(base + c * R, R)],
            sem_o.at[b],
        ).wait()

    build_and_fire(0, 0)

    def chunk_body(c, carry):
        b = lax.rem(c, 2)
        wait_gather(b)

        @pl.when(c + 1 < NCH)
        def _():
            build_and_fire(c + 1, 1 - b)

        @pl.when(c >= 2)
        def _():
            wait_out(b, c - 2)

        rawv = raw.at[b]
        pk = packed.at[b]

        def cgroup(g, carry2):
            ivec = idx_v[pl.ds(c * R + g * 16, 16)]
            svec = (ivec * EMBED) & 15
            for u in range(16):
                s = svec[u]
                row = g * 16 + u
                lane1 = (iota + s) & 15
                ub1 = row * UPR + lax.shift_right_logical(iota + s, 4)

                def win(k, carry3):
                    x = plsc.load_gather(rawv, [ub1 + k, lane1])
                    pk[row, pl.ds(k * 16, 16)] = x
                    return carry3

                lax.fori_loop(0, EMBED // 16, win, 0)
                lane2 = (iota + s + 12) & 15
                ub2 = (row * UPR + 17
                       + lax.shift_right_logical(iota + s + 12, 4))
                x = plsc.load_gather(rawv, [ub2, lane2])
                pk[row, pl.ds(EMBED - 16, 16)] = x
            return carry2

        lax.fori_loop(0, R // 16, cgroup, 0)

        pltpu.async_copy(
            pk,
            out_hbm.at[pl.ds(base + c * R, R)],
            sem_o.at[b],
        )
        return carry

    lax.fori_loop(0, NCH, chunk_body, 0)
    wait_out(0, NCH - 2)
    wait_out(1, NCH - 1)


def kernel(inp, table):
    idx = inp.reshape(-1)
    t16 = table.reshape(NU, 16)
    out = _gather_sc(t16, idx)
    return out.reshape(inp.shape[0], inp.shape[1], EMBED)

# --- scband reference (transcript-rebuilt; emitter-appended) ---
"""Pipeline reference for scband-glove-model-5858335392104 (READ-ONLY COPY).

The authoritative reference and input builder live on the scoring server;
editing this copy changes nothing except your own understanding.
"""

import jax, jax.numpy as jnp
import numpy as np

VOCAB = 100000
EMBED_DIM = 300

def setup_inputs(seed: int = 0) -> dict:
    key = jax.random.key(seed)
    k1, k2 = jax.random.split(key)
    inp = jax.random.randint(k1, (1024, 50), 0, VOCAB, dtype=jnp.int32)
    # pretrained glove table, frozen in original module; still a parameter tensor here
    table = jax.random.normal(k2, (VOCAB, EMBED_DIM), dtype=jnp.float32)
    return {"inp": inp, "table": table}

def reference(inp, table):
    # nn.Embedding.from_pretrained forward: pure row gather
    return jnp.take(table, inp, axis=0)

if __name__ == "__main__":
    import jax
    _d = setup_inputs()
    print(jax.jit(kernel)(*tuple(_d.values())))

</pallas_src>

<mosaic_0001>
#map = affine_map<(d0, d1) -> (0, 0)>
#map1 = affine_map<(d0, d1) -> (0)>
module attributes {stable_mosaic.version = 14 : i64} {
  func.func @_gather_sc(%arg0: i32, %arg1: i32, %arg2: memref<1875000x16xf32, #tpu.memory_space<hbm>>, %arg3: memref<51200xi32, #tpu.memory_space<hbm>>, %arg4: memref<51200x300xf32, #tpu.memory_space<hbm>>, %arg5: memref<1600xi32, #tpu.memory_space<vmem>>, %arg6: memref<2x1600xi32, #tpu.memory_space<vmem>>, %arg7: memref<2x1600x16xf32, #tpu.memory_space<vmem>>, %arg8: memref<2x80x300xf32, #tpu.memory_space<vmem>>, %arg9: memref<!tpu.dma_semaphore, #tpu.memory_space<semaphore_mem>>, %arg10: memref<2x!tpu.dma_semaphore, #tpu.memory_space<semaphore_mem>>, %arg11: memref<2x!tpu.dma_semaphore, #tpu.memory_space<semaphore_mem>>) attributes {dimension_semantics = [#tpu.dimension_semantics<core_parallel>, #tpu.dimension_semantics<subcore_parallel>], iteration_bounds = array<i64: 2, 16>, scalar_prefetch = 0 : i64, scratch_operands = 7 : i64, tpu.core_type = #tpu.core_type<sc_vector_subcore>, window_params = [{transform_indices = #map}, {transform_indices = #map1}, {transform_indices = #map}]} {
    %mul3A = arith.constant 2 : i32
    %mul3A_0 = arith.muli %arg1, %mul3A : i32
    %add3A = arith.addi %mul3A_0, %arg0 : i32
    %mul3A_1 = arith.constant 1600 : i32
    %mul3A_2 = arith.muli %add3A, %mul3A_1 : i32
    %iota3A = tpu.iota {dimensions = array<i32: 0>} : vector<16xi32>
    %dma_start3A = tpu.memref_slice %arg3[%mul3A_2] : memref<51200xi32, #tpu.memory_space<hbm>> -> memref<1600xi32, #tpu.memory_space<hbm>>
    %dma_start3A_3 = tpu.memref_slice %arg3[%mul3A_2] : memref<51200xi32, #tpu.memory_space<hbm>> -> memref<1600xi32, #tpu.memory_space<hbm>>
    tpu.enqueue_dma source(%dma_start3A_3 : memref<1600xi32, #tpu.memory_space<hbm>>) target(%arg5 : memref<1600xi32, #tpu.memory_space<vmem>>) target_semaphore(%arg9 : memref<!tpu.dma_semaphore, #tpu.memory_space<semaphore_mem>>)
    %dma_wait3A = tpu.memref_slice %arg3[%mul3A_2] : memref<51200xi32, #tpu.memory_space<hbm>> -> memref<1600xi32, #tpu.memory_space<hbm>>
    %dma_wait3A_4 = tpu.memref_slice %arg3[%mul3A_2] : memref<51200xi32, #tpu.memory_space<hbm>> -> memref<1600xi32, #tpu.memory_space<hbm>>
    tpu.wait_dma2 semaphore(%arg9 : memref<!tpu.dma_semaphore, #tpu.memory_space<semaphore_mem>>) src(%dma_wait3A_4 : memref<1600xi32, #tpu.memory_space<hbm>>) dst(%arg5 : memref<1600xi32, #tpu.memory_space<vmem>>)
    %scan3A = arith.constant 0 : i32
    %scan3A_5 = arith.constant 0 : i32
    %scan3A_6 = arith.constant 5 : i32
    %scan3A_7 = arith.addi %scan3A_5, %scan3A_6 : i32
    %scan3A_8 = arith.constant 1 : i32
    scf.for %scan3A_67 = %scan3A_5 to %scan3A_7 step %scan3A_8  : i32 {
      %mul3A_68 = arith.constant 16 : i32
      %mul3A_69 = arith.muli %scan3A_67, %mul3A_68 : i32
      %add3A_70 = arith.constant 0 : i32
      %add3A_71 = arith.addi %add3A_70, %mul3A_69 : i32
      %get3A = arith.index_cast %add3A_71 : i32 to index
      %get3A_72 = tpu.vector_load %arg5[%get3A] {strides = array<i32>} : memref<1600xi32, #tpu.memory_space<vmem>>, vector<16xi32>,
      %mul3A_73 = arith.constant 300 : i32
      %mul3A_74 = vector.broadcast %mul3A_73 : i32 to vector<16xi32>
      %mul3A_75 = arith.muli %get3A_72, %mul3A_74 : vector<16xi32>
      %shift_right_logical3A = arith.constant 4 : i32
      %shift_right_logical3A_76 = vector.broadcast %shift_right_logical3A : i32 to vector<16xi32>
      %shift_right_logical3A_77 = arith.shrui %mul3A_75, %shift_right_logical3A_76 : vector<16xi32>
      %mul3A_78 = arith.constant 16 : i32
      %mul3A_79 = arith.muli %scan3A_67, %mul3A_78 : i32
      %add3A_80 = vector.broadcast %mul3A_79 : i32 to vector<16xi32>
      %add3A_81 = arith.addi %add3A_80, %iota3A : vector<16xi32>
      %mul3A_82 = arith.constant 20 : i32
      %mul3A_83 = vector.broadcast %mul3A_82 : i32 to vector<16xi32>
      %mul3A_84 = arith.muli %add3A_81, %mul3A_83 : vector<16xi32>
      %scan3A_85 = arith.constant 0 : i32
      %scan3A_86 = arith.constant 20 : i32
      %scan3A_87 = arith.addi %scan3A_85, %scan3A_86 : i32
      %scan3A_88 = arith.constant 1 : i32
      scf.for %scan3A_90 = %scan3A_85 to %scan3A_87 step %scan3A_88  : i32 {
        %add3A_91 = vector.broadcast %scan3A_90 : i32 to vector<16xi32>
        %add3A_92 = arith.addi %mul3A_84, %add3A_91 : vector<16xi32>
        %add3A_93 = vector.broadcast %scan3A_90 : i32 to vector<16xi32>
        %add3A_94 = arith.addi %shift_right_logical3A_77, %add3A_93 : vector<16xi32>
        %min3A = arith.constant 1874999 : i32
        %min3A_95 = vector.broadcast %min3A : i32 to vector<16xi32>
        %min3A_96 = arith.minsi %add3A_94, %min3A_95 : vector<16xi32>
        %scatter3A = arith.constant 0 : i32
        %scatter3A_97 = arith.constant 0 : i32
        %scatter3A_98 = tpu.memref_slice %arg6[%scatter3A, %scatter3A_97] : memref<2x1600xi32, #tpu.memory_space<vmem>> -> memref<1x1600xi32, #tpu.memory_space<vmem>>
        %scatter3A_99 = tpu.memref_squeeze %scatter3A_98 : memref<1x1600xi32, #tpu.memory_space<vmem>> -> memref<1600xi32, #tpu.memory_space<vmem>>
        tpu.vector_store_idx %scatter3A_99[%add3A_92], %min3A_96 : memref<1600xi32, #tpu.memory_space<vmem>>[vector<16xi32>], vector<16xi32>,
      }
      %scan3A_89 = arith.constant 20 : i32
    }
    %scan3A_9 = arith.constant 5 : i32
    %dma_start3A_10 = arith.constant 0 : i32
    %dma_start3A_11 = arith.constant 0 : i32
    %dma_start3A_12 = arith.constant 0 : i32
    %dma_start3A_13 = arith.constant 0 : i32
    %dma_start3A_14 = arith.constant 0 : i32
    %dma_start3A_15 = tpu.memref_slice %arg7[%dma_start3A_11, %dma_start3A_13, %dma_start3A_14] : memref<2x1600x16xf32, #tpu.memory_space<vmem>> -> memref<1x1600x16xf32, #tpu.memory_space<vmem>>
    %dma_start3A_16 = tpu.memref_squeeze %dma_start3A_15 : memref<1x1600x16xf32, #tpu.memory_space<vmem>> -> memref<1600x16xf32, #tpu.memory_space<vmem>>
    %dma_start3A_17 = arith.constant 0 : i32
    %dma_start3A_18 = tpu.memref_slice %arg6[%dma_start3A_10, %dma_start3A_17] : memref<2x1600xi32, #tpu.memory_space<vmem>> -> memref<1x1600xi32, #tpu.memory_space<vmem>>
    %dma_start3A_19 = tpu.memref_squeeze %dma_start3A_18 : memref<1x1600xi32, #tpu.memory_space<vmem>> -> memref<1600xi32, #tpu.memory_space<vmem>>
    %dma_start3A_20 = arith.constant 0 : i32
    %dma_start3A_21 = arith.constant 0 : i32
    %dma_start3A_22 = tpu.memref_slice %arg2[%dma_start3A_20, %dma_start3A_21] : memref<1875000x16xf32, #tpu.memory_space<hbm>> -> memref<1875000x16xf32, #tpu.memory_space<hbm>>
    %dma_start3A_23 = tpu.memref_slice %arg10[%dma_start3A_12] : memref<2x!tpu.dma_semaphore, #tpu.memory_space<semaphore_mem>> -> memref<1x!tpu.dma_semaphore, #tpu.memory_space<semaphore_mem>>
    %dma_start3A_24 = tpu.memref_squeeze %dma_start3A_23 : memref<1x!tpu.dma_semaphore, #tpu.memory_space<semaphore_mem>> -> memref<!tpu.dma_semaphore, #tpu.memory_space<semaphore_mem>>
    tpu.enqueue_indirect_dma source(%dma_start3A_22 : memref<1875000x16xf32, #tpu.memory_space<hbm>>) target(%dma_start3A_16 : memref<1600x16xf32, #tpu.memory_space<vmem>>) offsets(%dma_start3A_19 : memref<1600xi32, #tpu.memory_space<vmem>>) semaphore(%dma_start3A_24 : memref<!tpu.dma_semaphore, #tpu.memory_space<semaphore_mem>>)
    %scan3A_25 = arith.constant 0 : i32
    %scan3A_26 = arith.constant 0 : i32
    %scan3A_27 = arith.constant 20 : i32
    %scan3A_28 = arith.addi %scan3A_26, %scan3A_27 : i32
    %scan3A_29 = arith.constant 1 : i32
    scf.for %scan3A_67 = %scan3A_26 to %scan3A_28 step %scan3A_29  : i32 {
      %rem3A = arith.constant 2 : i32
      %rem3A_68 = arith.remsi %scan3A_67, %rem3A : i32
      %dma_wait3A_69 = arith.constant 0 : i32
      %dma_wait3A_70 = arith.constant 0 : i32
      %dma_wait3A_71 = tpu.memref_slice %arg7[%rem3A_68, %dma_wait3A_69, %dma_wait3A_70] : memref<2x1600x16xf32, #tpu.memory_space<vmem>> -> memref<1x1600x16xf32, #tpu.memory_space<vmem>>
      %dma_wait3A_72 = tpu.memref_squeeze %dma_wait3A_71 : memref<1x1600x16xf32, #tpu.memory_space<vmem>> -> memref<1600x16xf32, #tpu.memory_space<vmem>>
      %dma_wait3A_73 = arith.constant 0 : i32
      %dma_wait3A_74 = arith.constant 0 : i32
      %dma_wait3A_75 = tpu.memref_slice %arg2[%dma_wait3A_73, %dma_wait3A_74] : memref<1875000x16xf32, #tpu.memory_space<hbm>> -> memref<1600x16xf32, #tpu.memory_space<hbm>>
      %dma_wait3A_76 = tpu.memref_slice %arg10[%rem3A_68] : memref<2x!tpu.dma_semaphore, #tpu.memory_space<semaphore_mem>> -> memref<1x!tpu.dma_semaphore, #tpu.memory_space<semaphore_mem>>
      %dma_wait3A_77 = tpu.memref_squeeze %dma_wait3A_76 : memref<1x!tpu.dma_semaphore, #tpu.memory_space<semaphore_mem>> -> memref<!tpu.dma_semaphore, #tpu.memory_space<semaphore_mem>>
      %dma_wait3A_78 = arith.constant 0 : i32
      %dma_wait3A_79 = arith.constant 0 : i32
      %dma_wait3A_80 = tpu.memref_slice %arg7[%rem3A_68, %dma_wait3A_78, %dma_wait3A_79] : memref<2x1600x16xf32, #tpu.memory_space<vmem>> -> memref<1x1600x16xf32, #tpu.memory_space<vmem>>
      %dma_wait3A_81 = tpu.memref_squeeze %dma_wait3A_80 : memref<1x1600x16xf32, #tpu.memory_space<vmem>> -> memref<1600x16xf32, #tpu.memory_space<vmem>>
      %dma_wait3A_82 = arith.constant 0 : i32
      %dma_wait3A_83 = arith.constant 0 : i32
      %dma_wait3A_84 = tpu.memref_slice %arg2[%dma_wait3A_82, %dma_wait3A_83] : memref<1875000x16xf32, #tpu.memory_space<hbm>> -> memref<1600x16xf32, #tpu.memory_space<hbm>>
      tpu.wait_dma2 semaphore(%dma_wait3A_77 : memref<!tpu.dma_semaphore, #tpu.memory_space<semaphore_mem>>) src(%dma_wait3A_84 : memref<1600x16xf32, #tpu.memory_space<hbm>>) dst(%dma_wait3A_81 : memref<1600x16xf32, #tpu.memory_space<vmem>>)
      %add3A_85 = arith.constant 1 : i32
      %add3A_86 = arith.addi %scan3A_67, %add3A_85 : i32
      %lt3A = arith.constant 20 : i32
      %lt3A_87 = arith.cmpi slt, %add3A_86, %lt3A : i32
      %convert_element_type3A = arith.extui %lt3A_87 : i1 to i32
      %cond3A = arith.constant 0 : i32
      %cond3A_88 = arith.cmpi ne, %convert_element_type3A, %cond3A : i32
      scf.if %cond3A_88 {
        %add3A_116 = arith.constant 1 : i32
        %add3A_117 = arith.addi %scan3A_67, %add3A_116 : i32
        %sub3A = arith.constant 1 : i32
        %sub3A_118 = arith.subi %sub3A, %rem3A_68 : i32
        %scan3A_119 = arith.constant 0 : i32
        %scan3A_120 = arith.constant 0 : i32
        %scan3A_121 = arith.constant 5 : i32
        %scan3A_122 = arith.addi %scan3A_120, %scan3A_121 : i32
        %scan3A_123 = arith.constant 1 : i32
        scf.for %scan3A_137 = %scan3A_120 to %scan3A_122 step %scan3A_123  : i32 {
          %mul3A_138 = arith.constant 80 : i32
          %mul3A_139 = arith.muli %add3A_117, %mul3A_138 : i32
          %mul3A_140 = arith.constant 16 : i32
          %mul3A_141 = arith.muli %scan3A_137, %mul3A_140 : i32
          %add3A_142 = arith.addi %mul3A_139, %mul3A_141 : i32
          %get3A = arith.index_cast %add3A_142 : i32 to index
          %get3A_143 = tpu.vector_load %arg5[%get3A] {strides = array<i32>} : memref<1600xi32, #tpu.memory_space<vmem>>, vector<16xi32>,
          %mul3A_144 = arith.constant 300 : i32
          %mul3A_145 = vector.broadcast %mul3A_144 : i32 to vector<16xi32>
          %mul3A_146 = arith.muli %get3A_143, %mul3A_145 : vector<16xi32>
          %shift_right_logical3A = arith.constant 4 : i32
          %shift_right_logical3A_147 = vector.broadcast %shift_right_logical3A : i32 to vector<16xi32>
          %shift_right_logical3A_148 = arith.shrui %mul3A_146, %shift_right_logical3A_147 : vector<16xi32>
          %mul3A_149 = arith.constant 16 : i32
          %mul3A_150 = arith.muli %scan3A_137, %mul3A_149 : i32
          %add3A_151 = vector.broadcast %mul3A_150 : i32 to vector<16xi32>
          %add3A_152 = arith.addi %add3A_151, %iota3A : vector<16xi32>
          %mul3A_153 = arith.constant 20 : i32
          %mul3A_154 = vector.broadcast %mul3A_153 : i32 to vector<16xi32>
          %mul3A_155 = arith.muli %add3A_152, %mul3A_154 : vector<16xi32>
          %scan3A_156 = arith.constant 0 : i32
          %scan3A_157 = arith.constant 20 : i32
          %scan3A_158 = arith.addi %scan3A_156, %scan3A_157 : i32
          %scan3A_159 = arith.constant 1 : i32
          scf.for %scan3A_161 = %scan3A_156 to %scan3A_158 step %scan3A_159  : i32 {
            %add3A_162 = vector.broadcast %scan3A_161 : i32 to vector<16xi32>
            %add3A_163 = arith.addi %mul3A_155, %add3A_162 : vector<16xi32>
            %add3A_164 = vector.broadcast %scan3A_161 : i32 to vector<16xi32>
            %add3A_165 = arith.addi %shift_right_logical3A_148, %add3A_164 : vector<16xi32>
            %min3A = arith.constant 1874999 : i32
            %min3A_166 = vector.broadcast %min3A : i32 to vector<16xi32>
            %min3A_167 = arith.minsi %add3A_165, %min3A_166 : vector<16xi32>
            %scatter3A = arith.constant 0 : i32
            %scatter3A_168 = tpu.memref_slice %arg6[%sub3A_118, %scatter3A] : memref<2x1600xi32, #tpu.memory_space<vmem>> -> memref<1x1600xi32, #tpu.memory_space<vmem>>
            %scatter3A_169 = tpu.memref_squeeze %scatter3A_168 : memref<1x1600xi32, #tpu.memory_space<vmem>> -> memref<1600xi32, #tpu.memory_space<vmem>>
            tpu.vector_store_idx %scatter3A_169[%add3A_163], %min3A_167 : memref<1600xi32, #tpu.memory_space<vmem>>[vector<16xi32>], vector<16xi32>,
          }
          %scan3A_160 = arith.constant 20 : i32
        }
        %scan3A_124 = arith.constant 5 : i32
        %dma_start3A_125 = arith.constant 0 : i32
        %dma_start3A_126 = arith.constant 0 : i32
        %dma_start3A_127 = tpu.memref_slice %arg7[%sub3A_118, %dma_start3A_125, %dma_start3A_126] : memref<2x1600x16xf32, #tpu.memory_space<vmem>> -> memref<1x1600x16xf32, #tpu.memory_space<vmem>>
        %dma_start3A_128 = tpu.memref_squeeze %dma_start3A_127 : memref<1x1600x16xf32, #tpu.memory_space<vmem>> -> memref<1600x16xf32, #tpu.memory_space<vmem>>
        %dma_start3A_129 = arith.constant 0 : i32
        %dma_start3A_130 = tpu.memref_slice %arg6[%sub3A_118, %dma_start3A_129] : memref<2x1600xi32, #tpu.memory_space<vmem>> -> memref<1x1600xi32, #tpu.memory_space<vmem>>
        %dma_start3A_131 = tpu.memref_squeeze %dma_start3A_130 : memref<1x1600xi32, #tpu.memory_space<vmem>> -> memref<1600xi32, #tpu.memory_space<vmem>>
        %dma_start3A_132 = arith.constant 0 : i32
        %dma_start3A_133 = arith.constant 0 : i32
        %dma_start3A_134 = tpu.memref_slice %arg2[%dma_start3A_132, %dma_start3A_133] : memref<1875000x16xf32, #tpu.memory_space<hbm>> -> memref<1875000x16xf32, #tpu.memory_space<hbm>>
        %dma_start3A_135 = tpu.memref_slice %arg10[%sub3A_118] : memref<2x!tpu.dma_semaphore, #tpu.memory_space<semaphore_mem>> -> memref<1x!tpu.dma_semaphore, #tpu.memory_space<semaphore_mem>>
        %dma_start3A_136 = tpu.memref_squeeze %dma_start3A_135 : memref<1x!tpu.dma_semaphore, #tpu.memory_space<semaphore_mem>> -> memref<!tpu.dma_semaphore, #tpu.memory_space<semaphore_mem>>
        tpu.enqueue_indirect_dma source(%dma_start3A_134 : memref<1875000x16xf32, #tpu.memory_space<hbm>>) target(%dma_start3A_128 : memref<1600x16xf32, #tpu.memory_space<vmem>>) offsets(%dma_start3A_131 : memref<1600xi32, #tpu.memory_space<vmem>>) semaphore(%dma_start3A_136 : memref<!tpu.dma_semaphore, #tpu.memory_space<semaphore_mem>>)
      } else {
      }
      %ge3A = arith.constant 2 : i32
      %ge3A_89 = arith.cmpi sge, %scan3A_67, %ge3A : i32
      %convert_element_type3A_90 = arith.extui %ge3A_89 : i1 to i32
      %cond3A_91 = arith.constant 0 : i32
      %cond3A_92 = arith.cmpi ne, %convert_element_type3A_90, %cond3A_91 : i32
      scf.if %cond3A_92 {
        %sub3A = arith.constant 2 : i32
        %sub3A_116 = arith.subi %scan3A_67, %sub3A : i32
        %mul3A_117 = arith.constant 80 : i32
        %mul3A_118 = arith.muli %sub3A_116, %mul3A_117 : i32
        %add3A_119 = arith.addi %mul3A_2, %mul3A_118 : i32
        %dma_wait3A_120 = arith.constant 0 : i32
        %dma_wait3A_121 = arith.constant 0 : i32
        %dma_wait3A_122 = tpu.memref_slice %arg8[%rem3A_68, %dma_wait3A_120, %dma_wait3A_121] : memref<2x80x300xf32, #tpu.memory_space<vmem>> -> memref<1x80x300xf32, #tpu.memory_space<vmem>>
        %dma_wait3A_123 = tpu.memref_squeeze %dma_wait3A_122 : memref<1x80x300xf32, #tpu.memory_space<vmem>> -> memref<80x300xf32, #tpu.memory_space<vmem>>
        %dma_wait3A_124 = arith.constant 0 : i32
        %dma_wait3A_125 = tpu.memref_slice %arg4[%add3A_119, %dma_wait3A_124] : memref<51200x300xf32, #tpu.memory_space<hbm>> -> memref<80x300xf32, #tpu.memory_space<hbm>>
        %dma_wait3A_126 = tpu.memref_slice %arg11[%rem3A_68] : memref<2x!tpu.dma_semaphore, #tpu.memory_space<semaphore_mem>> -> memref<1x!tpu.dma_semaphore, #tpu.memory_space<semaphore_mem>>
        %dma_wait3A_127 = tpu.memref_squeeze %dma_wait3A_126 : memref<1x!tpu.dma_semaphore, #tpu.memory_space<semaphore_mem>> -> memref<!tpu.dma_semaphore, #tpu.memory_space<semaphore_mem>>
        %dma_wait3A_128 = arith.constant 0 : i32
        %dma_wait3A_129 = tpu.memref_slice %arg4[%add3A_119, %dma_wait3A_128] : memref<51200x300xf32, #tpu.memory_space<hbm>> -> memref<80x300xf32, #tpu.memory_space<hbm>>
        %dma_wait3A_130 = arith.constant 0 : i32
        %dma_wait3A_131 = arith.constant 0 : i32
        %dma_wait3A_132 = tpu.memref_slice %arg8[%rem3A_68, %dma_wait3A_130, %dma_wait3A_131] : memref<2x80x300xf32, #tpu.memory_space<vmem>> -> memref<1x80x300xf32, #tpu.memory_space<vmem>>
        %dma_wait3A_133 = tpu.memref_squeeze %dma_wait3A_132 : memref<1x80x300xf32, #tpu.memory_space<vmem>> -> memref<80x300xf32, #tpu.memory_space<vmem>>
        tpu.wait_dma2 semaphore(%dma_wait3A_127 : memref<!tpu.dma_semaphore, #tpu.memory_space<semaphore_mem>>) src(%dma_wait3A_133 : memref<80x300xf32, #tpu.memory_space<vmem>>) dst(%dma_wait3A_129 : memref<80x300xf32, #tpu.memory_space<hbm>>)
      } else {
      }
      %scan3A_93 = arith.constant 0 : i32
      %scan3A_94 = arith.constant 0 : i32
      %scan3A_95 = arith.constant 5 : i32
      %scan3A_96 = arith.addi %scan3A_94, %scan3A_95 : i32
      %scan3A_97 = arith.constant 1 : i32
      scf.for %scan3A_116 = %scan3A_94 to %scan3A_96 step %scan3A_97  : i32 {
        %mul3A_117 = arith.constant 80 : i32
        %mul3A_118 = arith.muli %scan3A_67, %mul3A_117 : i32
        %mul3A_119 = arith.constant 16 : i32
        %mul3A_120 = arith.muli %scan3A_116, %mul3A_119 : i32
        %add3A_121 = arith.addi %mul3A_118, %mul3A_120 : i32
        %get3A = arith.index_cast %add3A_121 : i32 to index
        %get3A_122 = tpu.vector_load %arg5[%get3A] {strides = array<i32>} : memref<1600xi32, #tpu.memory_space<vmem>>, vector<16xi32>,
        %mul3A_123 = arith.constant 300 : i32
        %mul3A_124 = vector.broadcast %mul3A_123 : i32 to vector<16xi32>
        %mul3A_125 = arith.muli %get3A_122, %mul3A_124 : vector<16xi32>
        %and3A = arith.constant 15 : i32
        %and3A_126 = vector.broadcast %and3A : i32 to vector<16xi32>
        %and3A_127 = arith.andi %mul3A_125, %and3A_126 : vector<16xi32>
        %slice3A = vector.extract_strided_slice %and3A_127 {offsets = [0], sizes = [1], strides = [1]} : vector<16xi32> to vector<1xi32>
        %squeeze3A = vector.extract %slice3A[0] : i32 from vector<1xi32>
        %mul3A_128 = arith.constant 16 : i32
        %mul3A_129 = arith.muli %scan3A_116, %mul3A_128 : i32
        %add3A_130 = arith.constant 0 : i32
        %add3A_131 = arith.addi %mul3A_129, %add3A_130 : i32
        %add3A_132 = vector.broadcast %squeeze3A : i32 to vector<16xi32>
        %add3A_133 = arith.addi %iota3A, %add3A_132 : vector<16xi32>
        %and3A_134 = arith.constant 15 : i32
        %and3A_135 = vector.broadcast %and3A_134 : i32 to vector<16xi32>
        %and3A_136 = arith.andi %add3A_133, %and3A_135 : vector<16xi32>
        %mul3A_137 = arith.constant 20 : i32
        %mul3A_138 = arith.muli %add3A_131, %mul3A_137 : i32
        %add3A_139 = vector.broadcast %squeeze3A : i32 to vector<16xi32>
        %add3A_140 = arith.addi %iota3A, %add3A_139 : vector<16xi32>
        %shift_right_logical3A = arith.constant 4 : i32
        %shift_right_logical3A_141 = vector.broadcast %shift_right_logical3A : i32 to vector<16xi32>
        %shift_right_logical3A_142 = arith.shrui %add3A_140, %shift_right_logical3A_141 : vector<16xi32>
        %add3A_143 = vector.broadcast %mul3A_138 : i32 to vector<16xi32>
        %add3A_144 = arith.addi %add3A_143, %shift_right_logical3A_142 : vector<16xi32>
        %scan3A_145 = arith.constant 0 : i32
        %scan3A_146 = arith.constant 0 : i32
        %scan3A_147 = arith.constant 18 : i32
        %scan3A_148 = arith.addi %scan3A_146, %scan3A_147 : i32
        %scan3A_149 = arith.constant 1 : i32
        scf.for %scan3A_1083 = %scan3A_146 to %scan3A_148 step %scan3A_149  : i32 {
          %add3A_1084 = vector.broadcast %scan3A_1083 : i32 to vector<16xi32>
          %add3A_1085 = arith.addi %add3A_144, %add3A_1084 : vector<16xi32>
          %gather3A_1086 = arith.constant 0 : i32
          %gather3A_1087 = arith.constant 0 : i32
          %gather3A_1088 = tpu.memref_slice %arg7[%rem3A_68, %gather3A_1086, %gather3A_1087] : memref<2x1600x16xf32, #tpu.memory_space<vmem>> -> memref<1x1600x16xf32, #tpu.memory_space<vmem>>
          %gather3A_1089 = tpu.memref_squeeze %gather3A_1088 : memref<1x1600x16xf32, #tpu.memory_space<vmem>> -> memref<1600x16xf32, #tpu.memory_space<vmem>>
          %gather3A_1090 = tpu.vector_load_idx %gather3A_1089[%add3A_1085, %and3A_136] : memref<1600x16xf32, #tpu.memory_space<vmem>>[vector<16xi32>, vector<16xi32>], vector<16xf32>,
          %mul3A_1091 = arith.constant 16 : i32
          %mul3A_1092 = arith.muli %scan3A_1083, %mul3A_1091 : i32
          %swap3A_1093 = arith.constant 0 : i32
          %swap3A_1094 = arith.constant 0 : i32
          %swap3A_1095 = tpu.memref_slice %arg8[%rem3A_68, %swap3A_1093, %swap3A_1094] : memref<2x80x300xf32, #tpu.memory_space<vmem>> -> memref<1x80x300xf32, #tpu.memory_space<vmem>>
          %swap3A_1096 = tpu.memref_squeeze %swap3A_1095 : memref<1x80x300xf32, #tpu.memory_space<vmem>> -> memref<80x300xf32, #tpu.memory_space<vmem>>
          %swap3A_1097 = arith.index_cast %add3A_131 : i32 to index
          %swap3A_1098 = arith.index_cast %mul3A_1092 : i32 to index
          %swap3A_1099 = tpu.vector_load %swap3A_1096[%swap3A_1097, %swap3A_1098] {strides = array<i32>} : memref<80x300xf32, #tpu.memory_space<vmem>>, vector<16xf32>,
          tpu.vector_store %swap3A_1096[%swap3A_1097, %swap3A_1098], %gather3A_1090 {strides = array<i32>} : memref<80x300xf32, #tpu.memory_space<vmem>>, vector<16xf32>,
        }
        %scan3A_150 = arith.constant 18 : i32
        %add3A_151 = vector.broadcast %squeeze3A : i32 to vector<16xi32>
        %add3A_152 = arith.addi %iota3A, %add3A_151 : vector<16xi32>
        %add3A_153 = arith.constant 12 : i32
        %add3A_154 = vector.broadcast %add3A_153 : i32 to vector<16xi32>
        %add3A_155 = arith.addi %add3A_152, %add3A_154 : vector<16xi32>
        %and3A_156 = arith.constant 15 : i32
        %and3A_157 = vector.broadcast %and3A_156 : i32 to vector<16xi32>
        %and3A_158 = arith.andi %add3A_155, %and3A_157 : vector<16xi32>
        %mul3A_159 = arith.constant 20 : i32
        %mul3A_160 = arith.muli %add3A_131, %mul3A_159 : i32
        %add3A_161 = arith.constant 17 : i32
        %add3A_162 = arith.addi %mul3A_160, %add3A_161 : i32
        %add3A_163 = vector.broadcast %squeeze3A : i32 to vector<16xi32>
        %add3A_164 = arith.addi %iota3A, %add3A_163 : vector<16xi32>
        %add3A_165 = arith.constant 12 : i32
        %add3A_166 = vector.broadcast %add3A_165 : i32 to vector<16xi32>
        %add3A_167 = arith.addi %add3A_164, %add3A_166 : vector<16xi32>
        %shift_right_logical3A_168 = arith.constant 4 : i32
        %shift_right_logical3A_169 = vector.broadcast %shift_right_logical3A_168 : i32 to vector<16xi32>
        %shift_right_logical3A_170 = arith.shrui %add3A_167, %shift_right_logical3A_169 : vector<16xi32>
        %add3A_171 = vector.broadcast %add3A_162 : i32 to vector<16xi32>
        %add3A_172 = arith.addi %add3A_171, %shift_right_logical3A_170 : vector<16xi32>
        %gather3A = arith.constant 0 : i32
        %gather3A_173 = arith.constant 0 : i32
        %gather3A_174 = tpu.memref_slice %arg7[%rem3A_68, %gather3A, %gather3A_173] : memref<2x1600x16xf32, #tpu.memory_space<vmem>> -> memref<1x1600x16xf32, #tpu.memory_space<vmem>>
        %gather3A_175 = tpu.memref_squeeze %gather3A_174 : memref<1x1600x16xf32, #tpu.memory_space<vmem>> -> memref<1600x16xf32, #tpu.memory_space<vmem>>
        %gather3A_176 = tpu.vector_load_idx %gather3A_175[%add3A_172, %and3A_158] : memref<1600x16xf32, #tpu.memory_space<vmem>>[vector<16xi32>, vector<16xi32>], vector<16xf32>,
        %swap3A = arith.constant 0 : i32
        %swap3A_177 = arith.constant 0 : i32
        %swap3A_178 = tpu.memref_slice %arg8[%rem3A_68, %swap3A, %swap3A_177] : memref<2x80x300xf32, #tpu.memory_space<vmem>> -> memref<1x80x300xf32, #tpu.memory_space<vmem>>
        %swap3A_179 = tpu.memref_squeeze %swap3A_178 : memref<1x80x300xf32, #tpu.memory_space<vmem>> -> memref<80x300xf32, #tpu.memory_space<vmem>>
        %swap3A_180 = arith.index_cast %add3A_131 : i32 to index
        %swap3A_181 = arith.constant 284 : index
        %swap3A_182 = tpu.vector_load %swap3A_179[%swap3A_180, %swap3A_181] {strides = array<i32>} : memref<80x300xf32, #tpu.memory_space<vmem>>, vector<16xf32>,
        tpu.vector_store %swap3A_179[%swap3A_180, %swap3A_181], %gather3A_176 {strides = array<i32>} : memref<80x300xf32, #tpu.memory_space<vmem>>, vector<16xf32>,
        %slice3A_183 = vector.extract_strided_slice %and3A_127 {offsets = [1], sizes = [1], strides = [1]} : vector<16xi32> to vector<1xi32>
        %squeeze3A_184 = vector.extract %slice3A_183[0] : i32 from vector<1xi32>
        %mul3A_185 = arith.constant 16 : i32
        %mul3A_186 = arith.muli %scan3A_116, %mul3A_185 : i32
        %add3A_187 = arith.constant 1 : i32
        %add3A_188 = arith.addi %mul3A_186, %add3A_187 : i32
        %add3A_189 = vector.broadcast %squeeze3A_184 : i32 to vector<16xi32>
        %add3A_190 = arith.addi %iota3A, %add3A_189 : vector<16xi32>
        %and3A_191 = arith.constant 15 : i32
        %and3A_192 = vector.broadcast %and3A_191 : i32 to vector<16xi32>
        %and3A_193 = arith.andi %add3A_190, %and3A_192 : vector<16xi32>
        %mul3A_194 = arith.constant 20 : i32
        %mul3A_195 = arith.muli %add3A_188, %mul3A_194 : i32
        %add3A_196 = vector.broadcast %squeeze3A_184 : i32 to vector<16xi32>
        %add3A_197 = arith.addi %iota3A, %add3A_196 : vector<16xi32>
        %shift_right_logical3A_198 = arith.constant 4 : i32
        %shift_right_logical3A_199 = vector.broadcast %shift_right_logical3A_198 : i32 to vector<16xi32>
        %shift_right_logical3A_200 = arith.shrui %add3A_197, %shift_right_logical3A_199 : vector<16xi32>
        %add3A_201 = vector.broadcast %mul3A_195 : i32 to vector<16xi32>
        %add3A_202 = arith.addi %add3A_201, %shift_right_logical3A_200 : vector<16xi32>
        %scan3A_203 = arith.constant 0 : i32
        %scan3A_204 = arith.constant 0 : i32
        %scan3A_205 = arith.constant 18 : i32
        %scan3A_206 = arith.addi %scan3A_204, %scan3A_205 : i32
        %scan3A_207 = arith.constant 1 : i32
        scf.for %scan3A_1083 = %scan3A_204 to %scan3A_206 step %scan3A_207  : i32 {
          %add3A_1084 = vector.broadcast %scan3A_1083 : i32 to vector<16xi32>
          %add3A_1085 = arith.addi %add3A_202, %add3A_1084 : vector<16xi32>
          %gather3A_1086 = arith.constant 0 : i32
          %gather3A_1087 = arith.constant 0 : i32
          %gather3A_1088 = tpu.memref_slice %arg7[%rem3A_68, %gather3A_1086, %gather3A_1087] : memref<2x1600x16xf32, #tpu.memory_space<vmem>> -> memref<1x1600x16xf32, #tpu.memory_space<vmem>>
          %gather3A_1089 = tpu.memref_squeeze %gather3A_1088 : memref<1x1600x16xf32, #tpu.memory_space<vmem>> -> memref<1600x16xf32, #tpu.memory_space<vmem>>
          %gather3A_1090 = tpu.vector_load_idx %gather3A_1089[%add3A_1085, %and3A_193] : memref<1600x16xf32, #tpu.memory_space<vmem>>[vector<16xi32>, vector<16xi32>], vector<16xf32>,
          %mul3A_1091 = arith.constant 16 : i32
          %mul3A_1092 = arith.muli %scan3A_1083, %mul3A_1091 : i32
          %swap3A_1093 = arith.constant 0 : i32
          %swap3A_1094 = arith.constant 0 : i32
          %swap3A_1095 = tpu.memref_slice %arg8[%rem3A_68, %swap3A_1093, %swap3A_1094] : memref<2x80x300xf32, #tpu.memory_space<vmem>> -> memref<1x80x300xf32, #tpu.memory_space<vmem>>
          %swap3A_1096 = tpu.memref_squeeze %swap3A_1095 : memref<1x80x300xf32, #tpu.memory_space<vmem>> -> memref<80x300xf32, #tpu.memory_space<vmem>>
          %swap3A_1097 = arith.index_cast %add3A_188 : i32 to index
          %swap3A_1098 = arith.index_cast %mul3A_1092 : i32 to index
          %swap3A_1099 = tpu.vector_load %swap3A_1096[%swap3A_1097, %swap3A_1098] {strides = array<i32>} : memref<80x300xf32, #tpu.memory_space<vmem>>, vector<16xf32>,
          tpu.vector_store %swap3A_1096[%swap3A_1097, %swap3A_1098], %gather3A_1090 {strides = array<i32>} : memref<80x300xf32, #tpu.memory_space<vmem>>, vector<16xf32>,
        }
        %scan3A_208 = arith.constant 18 : i32
        %add3A_209 = vector.broadcast %squeeze3A_184 : i32 to vector<16xi32>
        %add3A_210 = arith.addi %iota3A, %add3A_209 : vector<16xi32>
        %add3A_211 = arith.constant 12 : i32
        %add3A_212 = vector.broadcast %add3A_211 : i32 to vector<16xi32>
        %add3A_213 = arith.addi %add3A_210, %add3A_212 : vector<16xi32>
        %and3A_214 = arith.constant 15 : i32
        %and3A_215 = vector.broadcast %and3A_214 : i32 to vector<16xi32>
        %and3A_216 = arith.andi %add3A_213, %and3A_215 : vector<16xi32>
        %mul3A_217 = arith.constant 20 : i32
        %mul3A_218 = arith.muli %add3A_188, %mul3A_217 : i32
        %add3A_219 = arith.constant 17 : i32
        %add3A_220 = arith.addi %mul3A_218, %add3A_219 : i32
        %add3A_221 = vector.broadcast %squeeze3A_184 : i32 to vector<16xi32>
        %add3A_222 = arith.addi %iota3A, %add3A_221 : vector<16xi32>
        %add3A_223 = arith.constant 12 : i32
        %add3A_224 = vector.broadcast %add3A_223 : i32 to vector<16xi32>
        %add3A_225 = arith.addi %add3A_222, %add3A_224 : vector<16xi32>
        %shift_right_logical3A_226 = arith.constant 4 : i32
        %shift_right_logical3A_227 = vector.broadcast %shift_right_logical3A_226 : i32 to vector<16xi32>
        %shift_right_logical3A_228 = arith.shrui %add3A_225, %shift_right_logical3A_227 : vector<16xi32>
        %add3A_229 = vector.broadcast %add3A_220 : i32 to vector<16xi32>
        %add3A_230 = arith.addi %add3A_229, %shift_right_logical3A_228 : vector<16xi32>
        %gather3A_231 = arith.constant 0 : i32
        %gather3A_232 = arith.constant 0 : i32
        %gather3A_233 = tpu.memref_slice %arg7[%rem3A_68, %gather3A_231, %gather3A_232] : memref<2x1600x16xf32, #tpu.memory_space<vmem>> -> memref<1x1600x16xf32, #tpu.memory_space<vmem>>
        %gather3A_234 = tpu.memref_squeeze %gather3A_233 : memref<1x1600x16xf32, #tpu.memory_space<vmem>> -> memref<1600x16xf32, #tpu.memory_space<vmem>>
        %gather3A_235 = tpu.vector_load_idx %gather3A_234[%add3A_230, %and3A_216] : memref<1600x16xf32, #tpu.memory_space<vmem>>[vector<16xi32>, vector<16xi32>], vector<16xf32>,
        %swap3A_236 = arith.constant 0 : i32
        %swap3A_237 = arith.constant 0 : i32
        %swap3A_238 = tpu.memref_slice %arg8[%rem3A_68, %swap3A_236, %swap3A_237] : memref<2x80x300xf32, #tpu.memory_space<vmem>> -> memref<1x80x300xf32, #tpu.memory_space<vmem>>
        %swap3A_239 = tpu.memref_squeeze %swap3A_238 : memref<1x80x300xf32, #tpu.memory_space<vmem>> -> memref<80x300xf32, #tpu.memory_space<vmem>>
        %swap3A_240 = arith.index_cast %add3A_188 : i32 to index
        %swap3A_241 = arith.constant 284 : index
        %swap3A_242 = tpu.vector_load %swap3A_239[%swap3A_240, %swap3A_241] {strides = array<i32>} : memref<80x300xf32, #tpu.memory_space<vmem>>, vector<16xf32>,
        tpu.vector_store %swap3A_239[%swap3A_240, %swap3A_241], %gather3A_235 {strides = array<i32>} : memref<80x300xf32, #tpu.memory_space<vmem>>, vector<16xf32>,
        %slice3A_243 = vector.extract_strided_slice %and3A_127 {offsets = [2], sizes = [1], strides = [1]} : vector<16xi32> to vector<1xi32>
        %squeeze3A_244 = vector.extract %slice3A_243[0] : i32 from vector<1xi32>
        %mul3A_245 = arith.constant 16 : i32
        %mul3A_246 = arith.muli %scan3A_116, %mul3A_245 : i32
        %add3A_247 = arith.constant 2 : i32
        %add3A_248 = arith.addi %mul3A_246, %add3A_247 : i32
        %add3A_249 = vector.broadcast %squeeze3A_244 : i32 to vector<16xi32>
        %add3A_250 = arith.addi %iota3A, %add3A_249 : vector<16xi32>
        %and3A_251 = arith.constant 15 : i32
        %and3A_252 = vector.broadcast %and3A_251 : i32 to vector<16xi32>
        %and3A_253 = arith.andi %add3A_250, %and3A_252 : vector<16xi32>
        %mul3A_254 = arith.constant 20 : i32
        %mul3A_255 = arith.muli %add3A_248, %mul3A_254 : i32
        %add3A_256 = vector.broadcast %squeeze3A_244 : i32 to vector<16xi32>
        %add3A_257 = arith.addi %iota3A, %add3A_256 : vector<16xi32>
        %shift_right_logical3A_258 = arith.constant 4 : i32
        %shift_right_logical3A_259 = vector.broadcast %shift_right_logical3A_258 : i32 to vector<16xi32>
        %shift_right_logical3A_260 = arith.shrui %add3A_257, %shift_right_logical3A_259 : vector<16xi32>
        %add3A_261 = vector.broadcast %mul3A_255 : i32 to vector<16xi32>
        %add3A_262 = arith.addi %add3A_261, %shift_right_logical3A_260 : vector<16xi32>
        %scan3A_263 = arith.constant 0 : i32
        %scan3A_264 = arith.constant 0 : i32
        %scan3A_265 = arith.constant 18 : i32
        %scan3A_266 = arith.addi %scan3A_264, %scan3A_265 : i32
        %scan3A_267 = arith.constant 1 : i32
        scf.for %scan3A_1083 = %scan3A_264 to %scan3A_266 step %scan3A_267  : i32 {
          %add3A_1084 = vector.broadcast %scan3A_1083 : i32 to vector<16xi32>
          %add3A_1085 = arith.addi %add3A_262, %add3A_1084 : vector<16xi32>
          %gather3A_1086 = arith.constant 0 : i32
          %gather3A_1087 = arith.constant 0 : i32
          %gather3A_1088 = tpu.memref_slice %arg7[%rem3A_68, %gather3A_1086, %gather3A_1087] : memref<2x1600x16xf32, #tpu.memory_space<vmem>> -> memref<1x1600x16xf32, #tpu.memory_space<vmem>>
          %gather3A_1089 = tpu.memref_squeeze %gather3A_1088 : memref<1x1600x16xf32, #tpu.memory_space<vmem>> -> memref<1600x16xf32, #tpu.memory_space<vmem>>
          %gather3A_1090 = tpu.vector_load_idx %gather3A_1089[%add3A_1085, %and3A_253] : memref<1600x16xf32, #tpu.memory_space<vmem>>[vector<16xi32>, vector<16xi32>], vector<16xf32>,
          %mul3A_1091 = arith.constant 16 : i32
          %mul3A_1092 = arith.muli %scan3A_1083, %mul3A_1091 : i32
          %swap3A_1093 = arith.constant 0 : i32
          %swap3A_1094 = arith.constant 0 : i32
          %swap3A_1095 = tpu.memref_slice %arg8[%rem3A_68, %swap3A_1093, %swap3A_1094] : memref<2x80x300xf32, #tpu.memory_space<vmem>> -> memref<1x80x300xf32, #tpu.memory_space<vmem>>
          %swap3A_1096 = tpu.memref_squeeze %swap3A_1095 : memref<1x80x300xf32, #tpu.memory_space<vmem>> -> memref<80x300xf32, #tpu.memory_space<vmem>>
          %swap3A_1097 = arith.index_cast %add3A_248 : i32 to index
          %swap3A_1098 = arith.index_cast %mul3A_1092 : i32 to index
          %swap3A_1099 = tpu.vector_load %swap3A_1096[%swap3A_1097, %swap3A_1098] {strides = array<i32>} : memref<80x300xf32, #tpu.memory_space<vmem>>, vector<16xf32>,
          tpu.vector_store %swap3A_1096[%swap3A_1097, %swap3A_1098], %gather3A_1090 {strides = array<i32>} : memref<80x300xf32, #tpu.memory_space<vmem>>, vector<16xf32>,
        }
        %scan3A_268 = arith.constant 18 : i32
        %add3A_269 = vector.broadcast %squeeze3A_244 : i32 to vector<16xi32>
        %add3A_270 = arith.addi %iota3A, %add3A_269 : vector<16xi32>
        %add3A_271 = arith.constant 12 : i32
        %add3A_272 = vector.broadcast %add3A_271 : i32 to vector<16xi32>
        %add3A_273 = arith.addi %add3A_270, %add3A_272 : vector<16xi32>
        %and3A_274 = arith.constant 15 : i32
        %and3A_275 = vector.broadcast %and3A_274 : i32 to vector<16xi32>
        %and3A_276 = arith.andi %add3A_273, %and3A_275 : vector<16xi32>
        %mul3A_277 = arith.constant 20 : i32
        %mul3A_278 = arith.muli %add3A_248, %mul3A_277 : i32
        %add3A_279 = arith.constant 17 : i32
        %add3A_280 = arith.addi %mul3A_278, %add3A_279 : i32
        %add3A_281 = vector.broadcast %squeeze3A_244 : i32 to vector<16xi32>
        %add3A_282 = arith.addi %iota3A, %add3A_281 : vector<16xi32>
        %add3A_283 = arith.constant 12 : i32
        %add3A_284 = vector.broadcast %add3A_283 : i32 to vector<16xi32>
        %add3A_285 = arith.addi %add3A_282, %add3A_284 : vector<16xi32>
        %shift_right_logical3A_286 = arith.constant 4 : i32
        %shift_right_logical3A_287 = vector.broadcast %shift_right_logical3A_286 : i32 to vector<16xi32>
        %shift_right_logical3A_288 = arith.shrui %add3A_285, %shift_right_logical3A_287 : vector<16xi32>
        %add3A_289 = vector.broadcast %add3A_280 : i32 to vector<16xi32>
        %add3A_290 = arith.addi %add3A_289, %shift_right_logical3A_288 : vector<16xi32>
        %gather3A_291 = arith.constant 0 : i32
        %gather3A_292 = arith.constant 0 : i32
        %gather3A_293 = tpu.memref_slice %arg7[%rem3A_68, %gather3A_291, %gather3A_292] : memref<2x1600x16xf32, #tpu.memory_space<vmem>> -> memref<1x1600x16xf32, #tpu.memory_space<vmem>>
        %gather3A_294 = tpu.memref_squeeze %gather3A_293 : memref<1x1600x16xf32, #tpu.memory_space<vmem>> -> memref<1600x16xf32, #tpu.memory_space<vmem>>
        %gather3A_295 = tpu.vector_load_idx %gather3A_294[%add3A_290, %and3A_276] : memref<1600x16xf32, #tpu.memory_space<vmem>>[vector<16xi32>, vector<16xi32>], vector<16xf32>,
        %swap3A_296 = arith.constant 0 : i32
        %swap3A_297 = arith.constant 0 : i32
        %swap3A_298 = tpu.memref_slice %arg8[%rem3A_68, %swap3A_296, %swap3A_297] : memref<2x80x300xf32, #tpu.memory_space<vmem>> -> memref<1x80x300xf32, #tpu.memory_space<vmem>>
        %swap3A_299 = tpu.memref_squeeze %swap3A_298 : memref<1x80x300xf32, #tpu.memory_space<vmem>> -> memref<80x300xf32, #tpu.memory_space<vmem>>
        %swap3A_300 = arith.index_cast %add3A_248 : i32 to index
        %swap3A_301 = arith.constant 284 : index
        %swap3A_302 = tpu.vector_load %swap3A_299[%swap3A_300, %swap3A_301] {strides = array<i32>} : memref<80x300xf32, #tpu.memory_space<vmem>>, vector<16xf32>,
        tpu.vector_store %swap3A_299[%swap3A_300, %swap3A_301], %gather3A_295 {strides = array<i32>} : memref<80x300xf32, #tpu.memory_space<vmem>>, vector<16xf32>,
        %slice3A_303 = vector.extract_strided_slice %and3A_127 {offsets = [3], sizes = [1], strides = [1]} : vector<16xi32> to vector<1xi32>
        %squeeze3A_304 = vector.extract %slice3A_303[0] : i32 from vector<1xi32>
        %mul3A_305 = arith.constant 16 : i32
        %mul3A_306 = arith.muli %scan3A_116, %mul3A_305 : i32
        %add3A_307 = arith.constant 3 : i32
        %add3A_308 = arith.addi %mul3A_306, %add3A_307 : i32
        %add3A_309 = vector.broadcast %squeeze3A_304 : i32 to vector<16xi32>
        %add3A_310 = arith.addi %iota3A, %add3A_309 : vector<16xi32>
        %and3A_311 = arith.constant 15 : i32
        %and3A_312 = vector.broadcast %and3A_311 : i32 to vector<16xi32>
        %and3A_313 = arith.andi %add3A_310, %and3A_312 : vector<16xi32>
        %mul3A_314 = arith.constant 20 : i32
        %mul3A_315 = arith.muli %add3A_308, %mul3A_314 : i32
        %add3A_316 = vector.broadcast %squeeze3A_304 : i32 to vector<16xi32>
        %add3A_317 = arith.addi %iota3A, %add3A_316 : vector<16xi32>
        %shift_right_logical3A_318 = arith.constant 4 : i32
        %shift_right_logical3A_319 = vector.broadcast %shift_right_logical3A_318 : i32 to vector<16xi32>
        %shift_right_logical3A_320 = arith.shrui %add3A_317, %shift_right_logical3A_319 : vector<16xi32>
        %add3A_321 = vector.broadcast %mul3A_315 : i32 to vector<16xi32>
        %add3A_322 = arith.addi %add3A_321, %shift_right_logical3A_320 : vector<16xi32>
        %scan3A_323 = arith.constant 0 : i32
        %scan3A_324 = arith.constant 0 : i32
        %scan3A_325 = arith.constant 18 : i32
        %scan3A_326 = arith.addi %scan3A_324, %scan3A_325 : i32
        %scan3A_327 = arith.constant 1 : i32
        scf.for %scan3A_1083 = %scan3A_324 to %scan3A_326 step %scan3A_327  : i32 {
          %add3A_1084 = vector.broadcast %scan3A_1083 : i32 to vector<16xi32>
          %add3A_1085 = arith.addi %add3A_322, %add3A_1084 : vector<16xi32>
          %gather3A_1086 = arith.constant 0 : i32
          %gather3A_1087 = arith.constant 0 : i32
          %gather3A_1088 = tpu.memref_slice %arg7[%rem3A_68, %gather3A_1086, %gather3A_1087] : memref<2x1600x16xf32, #tpu.memory_space<vmem>> -> memref<1x1600x16xf32, #tpu.memory_space<vmem>>
          %gather3A_1089 = tpu.memref_squeeze %gather3A_1088 : memref<1x1600x16xf32, #tpu.memory_space<vmem>> -> memref<1600x16xf32, #tpu.memory_space<vmem>>
          %gather3A_1090 = tpu.vector_load_idx %gather3A_1089[%add3A_1085, %and3A_313] : memref<1600x16xf32, #tpu.memory_space<vmem>>[vector<16xi32>, vector<16xi32>], vector<16xf32>,
          %mul3A_1091 = arith.constant 16 : i32
          %mul3A_1092 = arith.muli %scan3A_1083, %mul3A_1091 : i32
          %swap3A_1093 = arith.constant 0 : i32
          %swap3A_1094 = arith.constant 0 : i32
          %swap3A_1095 = tpu.memref_slice %arg8[%rem3A_68, %swap3A_1093, %swap3A_1094] : memref<2x80x300xf32, #tpu.memory_space<vmem>> -> memref<1x80x300xf32, #tpu.memory_space<vmem>>
          %swap3A_1096 = tpu.memref_squeeze %swap3A_1095 : memref<1x80x300xf32, #tpu.memory_space<vmem>> -> memref<80x300xf32, #tpu.memory_space<vmem>>
          %swap3A_1097 = arith.index_cast %add3A_308 : i32 to index
          %swap3A_1098 = arith.index_cast %mul3A_1092 : i32 to index
          %swap3A_1099 = tpu.vector_load %swap3A_1096[%swap3A_1097, %swap3A_1098] {strides = array<i32>} : memref<80x300xf32, #tpu.memory_space<vmem>>, vector<16xf32>,
          tpu.vector_store %swap3A_1096[%swap3A_1097, %swap3A_1098], %gather3A_1090 {strides = array<i32>} : memref<80x300xf32, #tpu.memory_space<vmem>>, vector<16xf32>,
        }
        %scan3A_328 = arith.constant 18 : i32
        %add3A_329 = vector.broadcast %squeeze3A_304 : i32 to vector<16xi32>
        %add3A_330 = arith.addi %iota3A, %add3A_329 : vector<16xi32>
        %add3A_331 = arith.constant 12 : i32
        %add3A_332 = vector.broadcast %add3A_331 : i32 to vector<16xi32>
        %add3A_333 = arith.addi %add3A_330, %add3A_332 : vector<16xi32>
        %and3A_334 = arith.constant 15 : i32
        %and3A_335 = vector.broadcast %and3A_334 : i32 to vector<16xi32>
        %and3A_336 = arith.andi %add3A_333, %and3A_335 : vector<16xi32>
        %mul3A_337 = arith.constant 20 : i32
        %mul3A_338 = arith.muli %add3A_308, %mul3A_337 : i32
        %add3A_339 = arith.constant 17 : i32
        %add3A_340 = arith.addi %mul3A_338, %add3A_339 : i32
        %add3A_341 = vector.broadcast %squeeze3A_304 : i32 to vector<16xi32>
        %add3A_342 = arith.addi %iota3A, %add3A_341 : vector<16xi32>
        %add3A_343 = arith.constant 12 : i32
        %add3A_344 = vector.broadcast %add3A_343 : i32 to vector<16xi32>
        %add3A_345 = arith.addi %add3A_342, %add3A_344 : vector<16xi32>
        %shift_right_logical3A_346 = arith.constant 4 : i32
        %shift_right_logical3A_347 = vector.broadcast %shift_right_logical3A_346 : i32 to vector<16xi32>
        %shift_right_logical3A_348 = arith.shrui %add3A_345, %shift_right_logical3A_347 : vector<16xi32>
        %add3A_349 = vector.broadcast %add3A_340 : i32 to vector<16xi32>
        %add3A_350 = arith.addi %add3A_349, %shift_right_logical3A_348 : vector<16xi32>
        %gather3A_351 = arith.constant 0 : i32
        %gather3A_352 = arith.constant 0 : i32
        %gather3A_353 = tpu.memref_slice %arg7[%rem3A_68, %gather3A_351, %gather3A_352] : memref<2x1600x16xf32, #tpu.memory_space<vmem>> -> memref<1x1600x16xf32, #tpu.memory_space<vmem>>
        %gather3A_354 = tpu.memref_squeeze %gather3A_353 : memref<1x1600x16xf32, #tpu.memory_space<vmem>> -> memref<1600x16xf32, #tpu.memory_space<vmem>>
        %gather3A_355 = tpu.vector_load_idx %gather3A_354[%add3A_350, %and3A_336] : memref<1600x16xf32, #tpu.memory_space<vmem>>[vector<16xi32>, vector<16xi32>], vector<16xf32>,
        %swap3A_356 = arith.constant 0 : i32
        %swap3A_357 = arith.constant 0 : i32
        %swap3A_358 = tpu.memref_slice %arg8[%rem3A_68, %swap3A_356, %swap3A_357] : memref<2x80x300xf32, #tpu.memory_space<vmem>> -> memref<1x80x300xf32, #tpu.memory_space<vmem>>
        %swap3A_359 = tpu.memref_squeeze %swap3A_358 : memref<1x80x300xf32, #tpu.memory_space<vmem>> -> memref<80x300xf32, #tpu.memory_space<vmem>>
        %swap3A_360 = arith.index_cast %add3A_308 : i32 to index
        %swap3A_361 = arith.constant 284 : index
        %swap3A_362 = tpu.vector_load %swap3A_359[%swap3A_360, %swap3A_361] {strides = array<i32>} : memref<80x300xf32, #tpu.memory_space<vmem>>, vector<16xf32>,
        tpu.vector_store %swap3A_359[%swap3A_360, %swap3A_361], %gather3A_355 {strides = array<i32>} : memref<80x300xf32, #tpu.memory_space<vmem>>, vector<16xf32>,
        %slice3A_363 = vector.extract_strided_slice %and3A_127 {offsets = [4], sizes = [1], strides = [1]} : vector<16xi32> to vector<1xi32>
        %squeeze3A_364 = vector.extract %slice3A_363[0] : i32 from vector<1xi32>
        %mul3A_365 = arith.constant 16 : i32
        %mul3A_366 = arith.muli %scan3A_116, %mul3A_365 : i32
        %add3A_367 = arith.constant 4 : i32
        %add3A_368 = arith.addi %mul3A_366, %add3A_367 : i32
        %add3A_369 = vector.broadcast %squeeze3A_364 : i32 to vector<16xi32>
        %add3A_370 = arith.addi %iota3A, %add3A_369 : vector<16xi32>
        %and3A_371 = arith.constant 15 : i32
        %and3A_372 = vector.broadcast %and3A_371 : i32 to vector<16xi32>
        %and3A_373 = arith.andi %add3A_370, %and3A_372 : vector<16xi32>
        %mul3A_374 = arith.constant 20 : i32
        %mul3A_375 = arith.muli %add3A_368, %mul3A_374 : i32
        %add3A_376 = vector.broadcast %squeeze3A_364 : i32 to vector<16xi32>
        %add3A_377 = arith.addi %iota3A, %add3A_376 : vector<16xi32>
        %shift_right_logical3A_378 = arith.constant 4 : i32
        %shift_right_logical3A_379 = vector.broadcast %shift_right_logical3A_378 : i32 to vector<16xi32>
        %shift_right_logical3A_380 = arith.shrui %add3A_377, %shift_right_logical3A_379 : vector<16xi32>
        %add3A_381 = vector.broadcast %mul3A_375 : i32 to vector<16xi32>
        %add3A_382 = arith.addi %add3A_381, %shift_right_logical3A_380 : vector<16xi32>
        %scan3A_383 = arith.constant 0 : i32
        %scan3A_384 = arith.constant 0 : i32
        %scan3A_385 = arith.constant 18 : i32
        %scan3A_386 = arith.addi %scan3A_384, %scan3A_385 : i32
        %scan3A_387 = arith.constant 1 : i32
        scf.for %scan3A_1083 = %scan3A_384 to %scan3A_386 step %scan3A_387  : i32 {
          %add3A_1084 = vector.broadcast %scan3A_1083 : i32 to vector<16xi32>
          %add3A_1085 = arith.addi %add3A_382, %add3A_1084 : vector<16xi32>
          %gather3A_1086 = arith.constant 0 : i32
          %gather3A_1087 = arith.constant 0 : i32
          %gather3A_1088 = tpu.memref_slice %arg7[%rem3A_68, %gather3A_1086, %gather3A_1087] : memref<2x1600x16xf32, #tpu.memory_space<vmem>> -> memref<1x1600x16xf32, #tpu.memory_space<vmem>>
          %gather3A_1089 = tpu.memref_squeeze %gather3A_1088 : memref<1x1600x16xf32, #tpu.memory_space<vmem>> -> memref<1600x16xf32, #tpu.memory_space<vmem>>
          %gather3A_1090 = tpu.vector_load_idx %gather3A_1089[%add3A_1085, %and3A_373] : memref<1600x16xf32, #tpu.memory_space<vmem>>[vector<16xi32>, vector<16xi32>], vector<16xf32>,
          %mul3A_1091 = arith.constant 16 : i32
          %mul3A_1092 = arith.muli %scan3A_1083, %mul3A_1091 : i32
          %swap3A_1093 = arith.constant 0 : i32
          %swap3A_1094 = arith.constant 0 : i32
          %swap3A_1095 = tpu.memref_slice %arg8[%rem3A_68, %swap3A_1093, %swap3A_1094] : memref<2x80x300xf32, #tpu.memory_space<vmem>> -> memref<1x80x300xf32, #tpu.memory_space<vmem>>
          %swap3A_1096 = tpu.memref_squeeze %swap3A_1095 : memref<1x80x300xf32, #tpu.memory_space<vmem>> -> memref<80x300xf32, #tpu.memory_space<vmem>>
          %swap3A_1097 = arith.index_cast %add3A_368 : i32 to index
          %swap3A_1098 = arith.index_cast %mul3A_1092 : i32 to index
          %swap3A_1099 = tpu.vector_load %swap3A_1096[%swap3A_1097, %swap3A_1098] {strides = array<i32>} : memref<80x300xf32, #tpu.memory_space<vmem>>, vector<16xf32>,
          tpu.vector_store %swap3A_1096[%swap3A_1097, %swap3A_1098], %gather3A_1090 {strides = array<i32>} : memref<80x300xf32, #tpu.memory_space<vmem>>, vector<16xf32>,
        }
        %scan3A_388 = arith.constant 18 : i32
        %add3A_389 = vector.broadcast %squeeze3A_364 : i32 to vector<16xi32>
        %add3A_390 = arith.addi %iota3A, %add3A_389 : vector<16xi32>
        %add3A_391 = arith.constant 12 : i32
        %add3A_392 = vector.broadcast %add3A_391 : i32 to vector<16xi32>
        %add3A_393 = arith.addi %add3A_390, %add3A_392 : vector<16xi32>
        %and3A_394 = arith.constant 15 : i32
        %and3A_395 = vector.broadcast %and3A_394 : i32 to vector<16xi32>
        %and3A_396 = arith.andi %add3A_393, %and3A_395 : vector<16xi32>
        %mul3A_397 = arith.constant 20 : i32
        %mul3A_398 = arith.muli %add3A_368, %mul3A_397 : i32
        %add3A_399 = arith.constant 17 : i32
        %add3A_400 = arith.addi %mul3A_398, %add3A_399 : i32
        %add3A_401 = vector.broadcast %squeeze3A_364 : i32 to vector<16xi32>
        %add3A_402 = arith.addi %iota3A, %add3A_401 : vector<16xi32>
        %add3A_403 = arith.constant 12 : i32
        %add3A_404 = vector.broadcast %add3A_403 : i32 to vector<16xi32>
        %add3A_405 = arith.addi %add3A_402, %add3A_404 : vector<16xi32>
        %shift_right_logical3A_406 = arith.constant 4 : i32
        %shift_right_logical3A_407 = vector.broadcast %shift_right_logical3A_406 : i32 to vector<16xi32>
        %shift_right_logical3A_408 = arith.shrui %add3A_405, %shift_right_logical3A_407 : vector<16xi32>
        %add3A_409 = vector.broadcast %add3A_400 : i32 to vector<16xi32>
        %add3A_410 = arith.addi %add3A_409, %shift_right_logical3A_408 : vector<16xi32>
        %gather3A_411 = arith.constant 0 : i32
        %gather3A_412 = arith.constant 0 : i32
        %gather3A_413 = tpu.memref_slice %arg7[%rem3A_68, %gather3A_411, %gather3A_412] : memref<2x1600x16xf32, #tpu.memory_space<vmem>> -> memref<1x1600x16xf32, #tpu.memory_space<vmem>>
        %gather3A_414 = tpu.memref_squeeze %gather3A_413 : memref<1x1600x16xf32, #tpu.memory_space<vmem>> -> memref<1600x16xf32, #tpu.memory_space<vmem>>
        %gather3A_415 = tpu.vector_load_idx %gather3A_414[%add3A_410, %and3A_396] : memref<1600x16xf32, #tpu.memory_space<vmem>>[vector<16xi32>, vector<16xi32>], vector<16xf32>,
        %swap3A_416 = arith.constant 0 : i32
        %swap3A_417 = arith.constant 0 : i32
        %swap3A_418 = tpu.memref_slice %arg8[%rem3A_68, %swap3A_416, %swap3A_417] : memref<2x80x300xf32, #tpu.memory_space<vmem>> -> memref<1x80x300xf32, #tpu.memory_space<vmem>>
        %swap3A_419 = tpu.memref_squeeze %swap3A_418 : memref<1x80x300xf32, #tpu.memory_space<vmem>> -> memref<80x300xf32, #tpu.memory_space<vmem>>
        %swap3A_420 = arith.index_cast %add3A_368 : i32 to index
        %swap3A_421 = arith.constant 284 : index
        %swap3A_422 = tpu.vector_load %swap3A_419[%swap3A_420, %swap3A_421] {strides = array<i32>} : memref<80x300xf32, #tpu.memory_space<vmem>>, vector<16xf32>,
        tpu.vector_store %swap3A_419[%swap3A_420, %swap3A_421], %gather3A_415 {strides = array<i32>} : memref<80x300xf32, #tpu.memory_space<vmem>>, vector<16xf32>,
        %slice3A_423 = vector.extract_strided_slice %and3A_127 {offsets = [5], sizes = [1], strides = [1]} : vector<16xi32> to vector<1xi32>
        %squeeze3A_424 = vector.extract %slice3A_423[0] : i32 from vector<1xi32>
        %mul3A_425 = arith.constant 16 : i32
        %mul3A_426 = arith.muli %scan3A_116, %mul3A_425 : i32
        %add3A_427 = arith.constant 5 : i32
        %add3A_428 = arith.addi %mul3A_426, %add3A_427 : i32
        %add3A_429 = vector.broadcast %squeeze3A_424 : i32 to vector<16xi32>
        %add3A_430 = arith.addi %iota3A, %add3A_429 : vector<16xi32>
        %and3A_431 = arith.constant 15 : i32
        %and3A_432 = vector.broadcast %and3A_431 : i32 to vector<16xi32>
        %and3A_433 = arith.andi %add3A_430, %and3A_432 : vector<16xi32>
        %mul3A_434 = arith.constant 20 : i32
        %mul3A_435 = arith.muli %add3A_428, %mul3A_434 : i32
        %add3A_436 = vector.broadcast %squeeze3A_424 : i32 to vector<16xi32>
        %add3A_437 = arith.addi %iota3A, %add3A_436 : vector<16xi32>
        %shift_right_logical3A_438 = arith.constant 4 : i32
        %shift_right_logical3A_439 = vector.broadcast %shift_right_logical3A_438 : i32 to vector<16xi32>
        %shift_right_logical3A_440 = arith.shrui %add3A_437, %shift_right_logical3A_439 : vector<16xi32>
        %add3A_441 = vector.broadcast %mul3A_435 : i32 to vector<16xi32>
        %add3A_442 = arith.addi %add3A_441, %shift_right_logical3A_440 : vector<16xi32>
        %scan3A_443 = arith.constant 0 : i32
        %scan3A_444 = arith.constant 0 : i32
        %scan3A_445 = arith.constant 18 : i32
        %scan3A_446 = arith.addi %scan3A_444, %scan3A_445 : i32
        %scan3A_447 = arith.constant 1 : i32
        scf.for %scan3A_1083 = %scan3A_444 to %scan3A_446 step %scan3A_447  : i32 {
          %add3A_1084 = vector.broadcast %scan3A_1083 : i32 to vector<16xi32>
          %add3A_1085 = arith.addi %add3A_442, %add3A_1084 : vector<16xi32>
          %gather3A_1086 = arith.constant 0 : i32
          %gather3A_1087 = arith.constant 0 : i32
          %gather3A_1088 = tpu.memref_slice %arg7[%rem3A_68, %gather3A_1086, %gather3A_1087] : memref<2x1600x16xf32, #tpu.memory_space<vmem>> -> memref<1x1600x16xf32, #tpu.memory_space<vmem>>
          %gather3A_1089 = tpu.memref_squeeze %gather3A_1088 : memref<1x1600x16xf32, #tpu.memory_space<vmem>> -> memref<1600x16xf32, #tpu.memory_space<vmem>>
          %gather3A_1090 = tpu.vector_load_idx %gather3A_1089[%add3A_1085, %and3A_433] : memref<1600x16xf32, #tpu.memory_space<vmem>>[vector<16xi32>, vector<16xi32>], vector<16xf32>,
          %mul3A_1091 = arith.constant 16 : i32
          %mul3A_1092 = arith.muli %scan3A_1083, %mul3A_1091 : i32
          %swap3A_1093 = arith.constant 0 : i32
          %swap3A_1094 = arith.constant 0 : i32
          %swap3A_1095 = tpu.memref_slice %arg8[%rem3A_68, %swap3A_1093, %swap3A_1094] : memref<2x80x300xf32, #tpu.memory_space<vmem>> -> memref<1x80x300xf32, #tpu.memory_space<vmem>>
          %swap3A_1096 = tpu.memref_squeeze %swap3A_1095 : memref<1x80x300xf32, #tpu.memory_space<vmem>> -> memref<80x300xf32, #tpu.memory_space<vmem>>
          %swap3A_1097 = arith.index_cast %add3A_428 : i32 to index
          %swap3A_1098 = arith.index_cast %mul3A_1092 : i32 to index
          %swap3A_1099 = tpu.vector_load %swap3A_1096[%swap3A_1097, %swap3A_1098] {strides = array<i32>} : memref<80x300xf32, #tpu.memory_space<vmem>>, vector<16xf32>,
          tpu.vector_store %swap3A_1096[%swap3A_1097, %swap3A_1098], %gather3A_1090 {strides = array<i32>} : memref<80x300xf32, #tpu.memory_space<vmem>>, vector<16xf32>,
        }
        %scan3A_448 = arith.constant 18 : i32
        %add3A_449 = vector.broadcast %squeeze3A_424 : i32 to vector<16xi32>
        %add3A_450 = arith.addi %iota3A, %add3A_449 : vector<16xi32>
        %add3A_451 = arith.constant 12 : i32
        %add3A_452 = vector.broadcast %add3A_451 : i32 to vector<16xi32>
        %add3A_453 = arith.addi %add3A_450, %add3A_452 : vector<16xi32>
        %and3A_454 = arith.constant 15 : i32
        %and3A_455 = vector.broadcast %and3A_454 : i32 to vector<16xi32>
        %and3A_456 = arith.andi %add3A_453, %and3A_455 : vector<16xi32>
        %mul3A_457 = arith.constant 20 : i32
        %mul3A_458 = arith.muli %add3A_428, %mul3A_457 : i32
        %add3A_459 = arith.constant 17 : i32
        %add3A_460 = arith.addi %mul3A_458, %add3A_459 : i32
        %add3A_461 = vector.broadcast %squeeze3A_424 : i32 to vector<16xi32>
        %add3A_462 = arith.addi %iota3A, %add3A_461 : vector<16xi32>
        %add3A_463 = arith.constant 12 : i32
        %add3A_464 = vector.broadcast %add3A_463 : i32 to vector<16xi32>
        %add3A_465 = arith.addi %add3A_462, %add3A_464 : vector<16xi32>
        %shift_right_logical3A_466 = arith.constant 4 : i32
        %shift_right_logical3A_467 = vector.broadcast %shift_right_logical3A_466 : i32 to vector<16xi32>
        %shift_right_logical3A_468 = arith.shrui %add3A_465, %shift_right_logical3A_467 : vector<16xi32>
        %add3A_469 = vector.broadcast %add3A_460 : i32 to vector<16xi32>
        %add3A_470 = arith.addi %add3A_469, %shift_right_logical3A_468 : vector<16xi32>
        %gather3A_471 = arith.constant 0 : i32
        %gather3A_472 = arith.constant 0 : i32
        %gather3A_473 = tpu.memref_slice %arg7[%rem3A_68, %gather3A_471, %gather3A_472] : memref<2x1600x16xf32, #tpu.memory_space<vmem>> -> memref<1x1600x16xf32, #tpu.memory_space<vmem>>
        %gather3A_474 = tpu.memref_squeeze %gather3A_473 : memref<1x1600x16xf32, #tpu.memory_space<vmem>> -> memref<1600x16xf32, #tpu.memory_space<vmem>>
        %gather3A_475 = tpu.vector_load_idx %gather3A_474[%add3A_470, %and3A_456] : memref<1600x16xf32, #tpu.memory_space<vmem>>[vector<16xi32>, vector<16xi32>], vector<16xf32>,
        %swap3A_476 = arith.constant 0 : i32
        %swap3A_477 = arith.constant 0 : i32
        %swap3A_478 = tpu.memref_slice %arg8[%rem3A_68, %swap3A_476, %swap3A_477] : memref<2x80x300xf32, #tpu.memory_space<vmem>> -> memref<1x80x300xf32, #tpu.memory_space<vmem>>
        %swap3A_479 = tpu.memref_squeeze %swap3A_478 : memref<1x80x300xf32, #tpu.memory_space<vmem>> -> memref<80x300xf32, #tpu.memory_space<vmem>>
        %swap3A_480 = arith.index_cast %add3A_428 : i32 to index
        %swap3A_481 = arith.constant 284 : index
        %swap3A_482 = tpu.vector_load %swap3A_479[%swap3A_480, %swap3A_481] {strides = array<i32>} : memref<80x300xf32, #tpu.memory_space<vmem>>, vector<16xf32>,
        tpu.vector_store %swap3A_479[%swap3A_480, %swap3A_481], %gather3A_475 {strides = array<i32>} : memref<80x300xf32, #tpu.memory_space<vmem>>, vector<16xf32>,
        %slice3A_483 = vector.extract_strided_slice %and3A_127 {offsets = [6], sizes = [1], strides = [1]} : vector<16xi32> to vector<1xi32>
        %squeeze3A_484 = vector.extract %slice3A_483[0] : i32 from vector<1xi32>
        %mul3A_485 = arith.constant 16 : i32
        %mul3A_486 = arith.muli %scan3A_116, %mul3A_485 : i32
        %add3A_487 = arith.constant 6 : i32
        %add3A_488 = arith.addi %mul3A_486, %add3A_487 : i32
        %add3A_489 = vector.broadcast %squeeze3A_484 : i32 to vector<16xi32>
        %add3A_490 = arith.addi %iota3A, %add3A_489 : vector<16xi32>
        %and3A_491 = arith.constant 15 : i32
        %and3A_492 = vector.broadcast %and3A_491 : i32 to vector<16xi32>
        %and3A_493 = arith.andi %add3A_490, %and3A_492 : vector<16xi32>
        %mul3A_494 = arith.constant 20 : i32
        %mul3A_495 = arith.muli %add3A_488, %mul3A_494 : i32
        %add3A_496 = vector.broadcast %squeeze3A_484 : i32 to vector<16xi32>
        %add3A_497 = arith.addi %iota3A, %add3A_496 : vector<16xi32>
        %shift_right_logical3A_498 = arith.constant 4 : i32
        %shift_right_logical3A_499 = vector.broadcast %shift_right_logical3A_498 : i32 to vector<16xi32>
        %shift_right_logical3A_500 = arith.shrui %add3A_497, %shift_right_logical3A_499 : vector<16xi32>
        %add3A_501 = vector.broadcast %mul3A_495 : i32 to vector<16xi32>
        %add3A_502 = arith.addi %add3A_501, %shift_right_logical3A_500 : vector<16xi32>
        %scan3A_503 = arith.constant 0 : i32
        %scan3A_504 = arith.constant 0 : i32
        %scan3A_505 = arith.constant 18 : i32
        %scan3A_506 = arith.addi %scan3A_504, %scan3A_505 : i32
        %scan3A_507 = arith.constant 1 : i32
        scf.for %scan3A_1083 = %scan3A_504 to %scan3A_506 step %scan3A_507  : i32 {
          %add3A_1084 = vector.broadcast %scan3A_1083 : i32 to vector<16xi32>
          %add3A_1085 = arith.addi %add3A_502, %add3A_1084 : vector<16xi32>
          %gather3A_1086 = arith.constant 0 : i32
          %gather3A_1087 = arith.constant 0 : i32
          %gather3A_1088 = tpu.memref_slice %arg7[%rem3A_68, %gather3A_1086, %gather3A_1087] : memref<2x1600x16xf32, #tpu.memory_space<vmem>> -> memref<1x1600x16xf32, #tpu.memory_space<vmem>>
          %gather3A_1089 = tpu.memref_squeeze %gather3A_1088 : memref<1x1600x16xf32, #tpu.memory_space<vmem>> -> memref<1600x16xf32, #tpu.memory_space<vmem>>
          %gather3A_1090 = tpu.vector_load_idx %gather3A_1089[%add3A_1085, %and3A_493] : memref<1600x16xf32, #tpu.memory_space<vmem>>[vector<16xi32>, vector<16xi32>], vector<16xf32>,
          %mul3A_1091 = arith.constant 16 : i32
          %mul3A_1092 = arith.muli %scan3A_1083, %mul3A_1091 : i32
          %swap3A_1093 = arith.constant 0 : i32
          %swap3A_1094 = arith.constant 0 : i32
          %swap3A_1095 = tpu.memref_slice %arg8[%rem3A_68, %swap3A_1093, %swap3A_1094] : memref<2x80x300xf32, #tpu.memory_space<vmem>> -> memref<1x80x300xf32, #tpu.memory_space<vmem>>
          %swap3A_1096 = tpu.memref_squeeze %swap3A_1095 : memref<1x80x300xf32, #tpu.memory_space<vmem>> -> memref<80x300xf32, #tpu.memory_space<vmem>>
          %swap3A_1097 = arith.index_cast %add3A_488 : i32 to index
          %swap3A_1098 = arith.index_cast %mul3A_1092 : i32 to index
          %swap3A_1099 = tpu.vector_load %swap3A_1096[%swap3A_1097, %swap3A_1098] {strides = array<i32>} : memref<80x300xf32, #tpu.memory_space<vmem>>, vector<16xf32>,
          tpu.vector_store %swap3A_1096[%swap3A_1097, %swap3A_1098], %gather3A_1090 {strides = array<i32>} : memref<80x300xf32, #tpu.memory_space<vmem>>, vector<16xf32>,
        }
        %scan3A_508 = arith.constant 18 : i32
        %add3A_509 = vector.broadcast %squeeze3A_484 : i32 to vector<16xi32>
        %add3A_510 = arith.addi %iota3A, %add3A_509 : vector<16xi32>
        %add3A_511 = arith.constant 12 : i32
        %add3A_512 = vector.broadcast %add3A_511 : i32 to vector<16xi32>
        %add3A_513 = arith.addi %add3A_510, %add3A_512 : vector<16xi32>
        %and3A_514 = arith.constant 15 : i32
        %and3A_515 = vector.broadcast %and3A_514 : i32 to vector<16xi32>
        %and3A_516 = arith.andi %add3A_513, %and3A_515 : vector<16xi32>
        %mul3A_517 = arith.constant 20 : i32
        %mul3A_518 = arith.muli %add3A_488, %mul3A_517 : i32
        %add3A_519 = arith.constant 17 : i32
        %add3A_520 = arith.addi %mul3A_518, %add3A_519 : i32
        %add3A_521 = vector.broadcast %squeeze3A_484 : i32 to vector<16xi32>
        %add3A_522 = arith.addi %iota3A, %add3A_521 : vector<16xi32>
        %add3A_523 = arith.constant 12 : i32
        %add3A_524 = vector.broadcast %add3A_523 : i32 to vector<16xi32>
        %add3A_525 = arith.addi %add3A_522, %add3A_524 : vector<16xi32>
        %shift_right_logical3A_526 = arith.constant 4 : i32
        %shift_right_logical3A_527 = vector.broadcast %shift_right_logical3A_526 : i32 to vector<16xi32>
        %shift_right_logical3A_528 = arith.shrui %add3A_525, %shift_right_logical3A_527 : vector<16xi32>
        %add3A_529 = vector.broadcast %add3A_520 : i32 to vector<16xi32>
        %add3A_530 = arith.addi %add3A_529, %shift_right_logical3A_528 : vector<16xi32>
        %gather3A_531 = arith.constant 0 : i32
        %gather3A_532 = arith.constant 0 : i32
        %gather3A_533 = tpu.memref_slice %arg7[%rem3A_68, %gather3A_531, %gather3A_532] : memref<2x1600x16xf32, #tpu.memory_space<vmem>> -> memref<1x1600x16xf32, #tpu.memory_space<vmem>>
        %gather3A_534 = tpu.memref_squeeze %gather3A_533 : memref<1x1600x16xf32, #tpu.memory_space<vmem>> -> memref<1600x16xf32, #tpu.memory_space<vmem>>
        %gather3A_535 = tpu.vector_load_idx %gather3A_534[%add3A_530, %and3A_516] : memref<1600x16xf32, #tpu.memory_space<vmem>>[vector<16xi32>, vector<16xi32>], vector<16xf32>,
        %swap3A_536 = arith.constant 0 : i32
        %swap3A_537 = arith.constant 0 : i32
        %swap3A_538 = tpu.memref_slice %arg8[%rem3A_68, %swap3A_536, %swap3A_537] : memref<2x80x300xf32, #tpu.memory_space<vmem>> -> memref<1x80x300xf32, #tpu.memory_space<vmem>>
        %swap3A_539 = tpu.memref_squeeze %swap3A_538 : memref<1x80x300xf32, #tpu.memory_space<vmem>> -> memref<80x300xf32, #tpu.memory_space<vmem>>
        %swap3A_540 = arith.index_cast %add3A_488 : i32 to index
        %swap3A_541 = arith.constant 284 : index
        %swap3A_542 = tpu.vector_load %swap3A_539[%swap3A_540, %swap3A_541] {strides = array<i32>} : memref<80x300xf32, #tpu.memory_space<vmem>>, vector<16xf32>,
        tpu.vector_store %swap3A_539[%swap3A_540, %swap3A_541], %gather3A_535 {strides = array<i32>} : memref<80x300xf32, #tpu.memory_space<vmem>>, vector<16xf32>,
        %slice3A_543 = vector.extract_strided_slice %and3A_127 {offsets = [7], sizes = [1], strides = [1]} : vector<16xi32> to vector<1xi32>
        %squeeze3A_544 = vector.extract %slice3A_543[0] : i32 from vector<1xi32>
        %mul3A_545 = arith.constant 16 : i32
        %mul3A_546 = arith.muli %scan3A_116, %mul3A_545 : i32
        %add3A_547 = arith.constant 7 : i32
        %add3A_548 = arith.addi %mul3A_546, %add3A_547 : i32
        %add3A_549 = vector.broadcast %squeeze3A_544 : i32 to vector<16xi32>
        %add3A_550 = arith.addi %iota3A, %add3A_549 : vector<16xi32>
        %and3A_551 = arith.constant 15 : i32
        %and3A_552 = vector.broadcast %and3A_551 : i32 to vector<16xi32>
        %and3A_553 = arith.andi %add3A_550, %and3A_552 : vector<16xi32>
        %mul3A_554 = arith.constant 20 : i32
        %mul3A_555 = arith.muli %add3A_548, %mul3A_554 : i32
        %add3A_556 = vector.broadcast %squeeze3A_544 : i32 to vector<16xi32>
        %add3A_557 = arith.addi %iota3A, %add3A_556 : vector<16xi32>
        %shift_right_logical3A_558 = arith.constant 4 : i32
        %shift_right_logical3A_559 = vector.broadcast %shift_right_logical3A_558 : i32 to vector<16xi32>
        %shift_right_logical3A_560 = arith.shrui %add3A_557, %shift_right_logical3A_559 : vector<16xi32>
        %add3A_561 = vector.broadcast %mul3A_555 : i32 to vector<16xi32>
        %add3A_562 = arith.addi %add3A_561, %shift_right_logical3A_560 : vector<16xi32>
        %scan3A_563 = arith.constant 0 : i32
        %scan3A_564 = arith.constant 0 : i32
        %scan3A_565 = arith.constant 18 : i32
        %scan3A_566 = arith.addi %scan3A_564, %scan3A_565 : i32
        %scan3A_567 = arith.constant 1 : i32
        scf.for %scan3A_1083 = %scan3A_564 to %scan3A_566 step %scan3A_567  : i32 {
          %add3A_1084 = vector.broadcast %scan3A_1083 : i32 to vector<16xi32>
          %add3A_1085 = arith.addi %add3A_562, %add3A_1084 : vector<16xi32>
          %gather3A_1086 = arith.constant 0 : i32
          %gather3A_1087 = arith.constant 0 : i32
          %gather3A_1088 = tpu.memref_slice %arg7[%rem3A_68, %gather3A_1086, %gather3A_1087] : memref<2x1600x16xf32, #tpu.memory_space<vmem>> -> memref<1x1600x16xf32, #tpu.memory_space<vmem>>
          %gather3A_1089 = tpu.memref_squeeze %gather3A_1088 : memref<1x1600x16xf32, #tpu.memory_space<vmem>> -> memref<1600x16xf32, #tpu.memory_space<vmem>>
          %gather3A_1090 = tpu.vector_load_idx %gather3A_1089[%add3A_1085, %and3A_553] : memref<1600x16xf32, #tpu.memory_space<vmem>>[vector<16xi32>, vector<16xi32>], vector<16xf32>,
          %mul3A_1091 = arith.constant 16 : i32
          %mul3A_1092 = arith.muli %scan3A_1083, %mul3A_1091 : i32
          %swap3A_1093 = arith.constant 0 : i32
          %swap3A_1094 = arith.constant 0 : i32
          %swap3A_1095 = tpu.memref_slice %arg8[%rem3A_68, %swap3A_1093, %swap3A_1094] : memref<2x80x300xf32, #tpu.memory_space<vmem>> -> memref<1x80x300xf32, #tpu.memory_space<vmem>>
          %swap3A_1096 = tpu.memref_squeeze %swap3A_1095 : memref<1x80x300xf32, #tpu.memory_space<vmem>> -> memref<80x300xf32, #tpu.memory_space<vmem>>
          %swap3A_1097 = arith.index_cast %add3A_548 : i32 to index
          %swap3A_1098 = arith.index_cast %mul3A_1092 : i32 to index
          %swap3A_1099 = tpu.vector_load %swap3A_1096[%swap3A_1097, %swap3A_1098] {strides = array<i32>} : memref<80x300xf32, #tpu.memory_space<vmem>>, vector<16xf32>,
          tpu.vector_store %swap3A_1096[%swap3A_1097, %swap3A_1098], %gather3A_1090 {strides = array<i32>} : memref<80x300xf32, #tpu.memory_space<vmem>>, vector<16xf32>,
        }
        %scan3A_568 = arith.constant 18 : i32
        %add3A_569 = vector.broadcast %squeeze3A_544 : i32 to vector<16xi32>
        %add3A_570 = arith.addi %iota3A, %add3A_569 : vector<16xi32>
        %add3A_571 = arith.constant 12 : i32
        %add3A_572 = vector.broadcast %add3A_571 : i32 to vector<16xi32>
        %add3A_573 = arith.addi %add3A_570, %add3A_572 : vector<16xi32>
        %and3A_574 = arith.constant 15 : i32
        %and3A_575 = vector.broadcast %and3A_574 : i32 to vector<16xi32>
        %and3A_576 = arith.andi %add3A_573, %and3A_575 : vector<16xi32>
        %mul3A_577 = arith.constant 20 : i32
        %mul3A_578 = arith.muli %add3A_548, %mul3A_577 : i32
        %add3A_579 = arith.constant 17 : i32
        %add3A_580 = arith.addi %mul3A_578, %add3A_579 : i32
        %add3A_581 = vector.broadcast %squeeze3A_544 : i32 to vector<16xi32>
        %add3A_582 = arith.addi %iota3A, %add3A_581 : vector<16xi32>
        %add3A_583 = arith.constant 12 : i32
        %add3A_584 = vector.broadcast %add3A_583 : i32 to vector<16xi32>
        %add3A_585 = arith.addi %add3A_582, %add3A_584 : vector<16xi32>
        %shift_right_logical3A_586 = arith.constant 4 : i32
        %shift_right_logical3A_587 = vector.broadcast %shift_right_logical3A_586 : i32 to vector<16xi32>
        %shift_right_logical3A_588 = arith.shrui %add3A_585, %shift_right_logical3A_587 : vector<16xi32>
        %add3A_589 = vector.broadcast %add3A_580 : i32 to vector<16xi32>
        %add3A_590 = arith.addi %add3A_589, %shift_right_logical3A_588 : vector<16xi32>
        %gather3A_591 = arith.constant 0 : i32
        %gather3A_592 = arith.constant 0 : i32
        %gather3A_593 = tpu.memref_slice %arg7[%rem3A_68, %gather3A_591, %gather3A_592] : memref<2x1600x16xf32, #tpu.memory_space<vmem>> -> memref<1x1600x16xf32, #tpu.memory_space<vmem>>
        %gather3A_594 = tpu.memref_squeeze %gather3A_593 : memref<1x1600x16xf32, #tpu.memory_space<vmem>> -> memref<1600x16xf32, #tpu.memory_space<vmem>>
        %gather3A_595 = tpu.vector_load_idx %gather3A_594[%add3A_590, %and3A_576] : memref<1600x16xf32, #tpu.memory_space<vmem>>[vector<16xi32>, vector<16xi32>], vector<16xf32>,
        %swap3A_596 = arith.constant 0 : i32
        %swap3A_597 = arith.constant 0 : i32
        %swap3A_598 = tpu.memref_slice %arg8[%rem3A_68, %swap3A_596, %swap3A_597] : memref<2x80x300xf32, #tpu.memory_space<vmem>> -> memref<1x80x300xf32, #tpu.memory_space<vmem>>
        %swap3A_599 = tpu.memref_squeeze %swap3A_598 : memref<1x80x300xf32, #tpu.memory_space<vmem>> -> memref<80x300xf32, #tpu.memory_space<vmem>>
        %swap3A_600 = arith.index_cast %add3A_548 : i32 to index
        %swap3A_601 = arith.constant 284 : index
        %swap3A_602 = tpu.vector_load %swap3A_599[%swap3A_600, %swap3A_601] {strides = array<i32>} : memref<80x300xf32, #tpu.memory_space<vmem>>, vector<16xf32>,
        tpu.vector_store %swap3A_599[%swap3A_600, %swap3A_601], %gather3A_595 {strides = array<i32>} : memref<80x300xf32, #tpu.memory_space<vmem>>, vector<16xf32>,
        %slice3A_603 = vector.extract_strided_slice %and3A_127 {offsets = [8], sizes = [1], strides = [1]} : vector<16xi32> to vector<1xi32>
        %squeeze3A_604 = vector.extract %slice3A_603[0] : i32 from vector<1xi32>
        %mul3A_605 = arith.constant 16 : i32
        %mul3A_606 = arith.muli %scan3A_116, %mul3A_605 : i32
        %add3A_607 = arith.constant 8 : i32
        %add3A_608 = arith.addi %mul3A_606, %add3A_607 : i32
        %add3A_609 = vector.broadcast %squeeze3A_604 : i32 to vector<16xi32>
        %add3A_610 = arith.addi %iota3A, %add3A_609 : vector<16xi32>
        %and3A_611 = arith.constant 15 : i32
        %and3A_612 = vector.broadcast %and3A_611 : i32 to vector<16xi32>
        %and3A_613 = arith.andi %add3A_610, %and3A_612 : vector<16xi32>
        %mul3A_614 = arith.constant 20 : i32
        %mul3A_615 = arith.muli %add3A_608, %mul3A_614 : i32
        %add3A_616 = vector.broadcast %squeeze3A_604 : i32 to vector<16xi32>
        %add3A_617 = arith.addi %iota3A, %add3A_616 : vector<16xi32>
        %shift_right_logical3A_618 = arith.constant 4 : i32
        %shift_right_logical3A_619 = vector.broadcast %shift_right_logical3A_618 : i32 to vector<16xi32>
        %shift_right_logical3A_620 = arith.shrui %add3A_617, %shift_right_logical3A_619 : vector<16xi32>
        %add3A_621 = vector.broadcast %mul3A_615 : i32 to vector<16xi32>
        %add3A_622 = arith.addi %add3A_621, %shift_right_logical3A_620 : vector<16xi32>
        %scan3A_623 = arith.constant 0 : i32
        %scan3A_624 = arith.constant 0 : i32
        %scan3A_625 = arith.constant 18 : i32
        %scan3A_626 = arith.addi %scan3A_624, %scan3A_625 : i32
        %scan3A_627 = arith.constant 1 : i32
        scf.for %scan3A_1083 = %scan3A_624 to %scan3A_626 step %scan3A_627  : i32 {
          %add3A_1084 = vector.broadcast %scan3A_1083 : i32 to vector<16xi32>
          %add3A_1085 = arith.addi %add3A_622, %add3A_1084 : vector<16xi32>
          %gather3A_1086 = arith.constant 0 : i32
          %gather3A_1087 = arith.constant 0 : i32
          %gather3A_1088 = tpu.memref_slice %arg7[%rem3A_68, %gather3A_1086, %gather3A_1087] : memref<2x1600x16xf32, #tpu.memory_space<vmem>> -> memref<1x1600x16xf32, #tpu.memory_space<vmem>>
          %gather3A_1089 = tpu.memref_squeeze %gather3A_1088 : memref<1x1600x16xf32, #tpu.memory_space<vmem>> -> memref<1600x16xf32, #tpu.memory_space<vmem>>
          %gather3A_1090 = tpu.vector_load_idx %gather3A_1089[%add3A_1085, %and3A_613] : memref<1600x16xf32, #tpu.memory_space<vmem>>[vector<16xi32>, vector<16xi32>], vector<16xf32>,
          %mul3A_1091 = arith.constant 16 : i32
          %mul3A_1092 = arith.muli %scan3A_1083, %mul3A_1091 : i32
          %swap3A_1093 = arith.constant 0 : i32
          %swap3A_1094 = arith.constant 0 : i32
          %swap3A_1095 = tpu.memref_slice %arg8[%rem3A_68, %swap3A_1093, %swap3A_1094] : memref<2x80x300xf32, #tpu.memory_space<vmem>> -> memref<1x80x300xf32, #tpu.memory_space<vmem>>
          %swap3A_1096 = tpu.memref_squeeze %swap3A_1095 : memref<1x80x300xf32, #tpu.memory_space<vmem>> -> memref<80x300xf32, #tpu.memory_space<vmem>>
          %swap3A_1097 = arith.index_cast %add3A_608 : i32 to index
          %swap3A_1098 = arith.index_cast %mul3A_1092 : i32 to index
          %swap3A_1099 = tpu.vector_load %swap3A_1096[%swap3A_1097, %swap3A_1098] {strides = array<i32>} : memref<80x300xf32, #tpu.memory_space<vmem>>, vector<16xf32>,
          tpu.vector_store %swap3A_1096[%swap3A_1097, %swap3A_1098], %gather3A_1090 {strides = array<i32>} : memref<80x300xf32, #tpu.memory_space<vmem>>, vector<16xf32>,
        }
        %scan3A_628 = arith.constant 18 : i32
        %add3A_629 = vector.broadcast %squeeze3A_604 : i32 to vector<16xi32>
        %add3A_630 = arith.addi %iota3A, %add3A_629 : vector<16xi32>
        %add3A_631 = arith.constant 12 : i32
        %add3A_632 = vector.broadcast %add3A_631 : i32 to vector<16xi32>
        %add3A_633 = arith.addi %add3A_630, %add3A_632 : vector<16xi32>
        %and3A_634 = arith.constant 15 : i32
        %and3A_635 = vector.broadcast %and3A_634 : i32 to vector<16xi32>
        %and3A_636 = arith.andi %add3A_633, %and3A_635 : vector<16xi32>
        %mul3A_637 = arith.constant 20 : i32
        %mul3A_638 = arith.muli %add3A_608, %mul3A_637 : i32
        %add3A_639 = arith.constant 17 : i32
        %add3A_640 = arith.addi %mul3A_638, %add3A_639 : i32
        %add3A_641 = vector.broadcast %squeeze3A_604 : i32 to vector<16xi32>
        %add3A_642 = arith.addi %iota3A, %add3A_641 : vector<16xi32>
        %add3A_643 = arith.constant 12 : i32
        %add3A_644 = vector.broadcast %add3A_643 : i32 to vector<16xi32>
        %add3A_645 = arith.addi %add3A_642, %add3A_644 : vector<16xi32>
        %shift_right_logical3A_646 = arith.constant 4 : i32
        %shift_right_logical3A_647 = vector.broadcast %shift_right_logical3A_646 : i32 to vector<16xi32>
        %shift_right_logical3A_648 = arith.shrui %add3A_645, %shift_right_logical3A_647 : vector<16xi32>
        %add3A_649 = vector.broadcast %add3A_640 : i32 to vector<16xi32>
        %add3A_650 = arith.addi %add3A_649, %shift_right_logical3A_648 : vector<16xi32>
        %gather3A_651 = arith.constant 0 : i32
        %gather3A_652 = arith.constant 0 : i32
        %gather3A_653 = tpu.memref_slice %arg7[%rem3A_68, %gather3A_651, %gather3A_652] : memref<2x1600x16xf32, #tpu.memory_space<vmem>> -> memref<1x1600x16xf32, #tpu.memory_space<vmem>>
        %gather3A_654 = tpu.memref_squeeze %gather3A_653 : memref<1x1600x16xf32, #tpu.memory_space<vmem>> -> memref<1600x16xf32, #tpu.memory_space<vmem>>
        %gather3A_655 = tpu.vector_load_idx %gather3A_654[%add3A_650, %and3A_636] : memref<1600x16xf32, #tpu.memory_space<vmem>>[vector<16xi32>, vector<16xi32>], vector<16xf32>,
        %swap3A_656 = arith.constant 0 : i32
        %swap3A_657 = arith.constant 0 : i32
        %swap3A_658 = tpu.memref_slice %arg8[%rem3A_68, %swap3A_656, %swap3A_657] : memref<2x80x300xf32, #tpu.memory_space<vmem>> -> memref<1x80x300xf32, #tpu.memory_space<vmem>>
        %swap3A_659 = tpu.memref_squeeze %swap3A_658 : memref<1x80x300xf32, #tpu.memory_space<vmem>> -> memref<80x300xf32, #tpu.memory_space<vmem>>
        %swap3A_660 = arith.index_cast %add3A_608 : i32 to index
        %swap3A_661 = arith.constant 284 : index
        %swap3A_662 = tpu.vector_load %swap3A_659[%swap3A_660, %swap3A_661] {strides = array<i32>} : memref<80x300xf32, #tpu.memory_space<vmem>>, vector<16xf32>,
        tpu.vector_store %swap3A_659[%swap3A_660, %swap3A_661], %gather3A_655 {strides = array<i32>} : memref<80x300xf32, #tpu.memory_space<vmem>>, vector<16xf32>,
        %slice3A_663 = vector.extract_strided_slice %and3A_127 {offsets = [9], sizes = [1], strides = [1]} : vector<16xi32> to vector<1xi32>
        %squeeze3A_664 = vector.extract %slice3A_663[0] : i32 from vector<1xi32>
        %mul3A_665 = arith.constant 16 : i32
        %mul3A_666 = arith.muli %scan3A_116, %mul3A_665 : i32
        %add3A_667 = arith.constant 9 : i32
        %add3A_668 = arith.addi %mul3A_666, %add3A_667 : i32
        %add3A_669 = vector.broadcast %squeeze3A_664 : i32 to vector<16xi32>
        %add3A_670 = arith.addi %iota3A, %add3A_669 : vector<16xi32>
        %and3A_671 = arith.constant 15 : i32
        %and3A_672 = vector.broadcast %and3A_671 : i32 to vector<16xi32>
        %and3A_673 = arith.andi %add3A_670, %and3A_672 : vector<16xi32>
        %mul3A_674 = arith.constant 20 : i32
        %mul3A_675 = arith.muli %add3A_668, %mul3A_674 : i32
        %add3A_676 = vector.broadcast %squeeze3A_664 : i32 to vector<16xi32>
        %add3A_677 = arith.addi %iota3A, %add3A_676 : vector<16xi32>
        %shift_right_logical3A_678 = arith.constant 4 : i32
        %shift_right_logical3A_679 = vector.broadcast %shift_right_logical3A_678 : i32 to vector<16xi32>
        %shift_right_logical3A_680 = arith.shrui %add3A_677, %shift_right_logical3A_679 : vector<16xi32>
        %add3A_681 = vector.broadcast %mul3A_675 : i32 to vector<16xi32>
        %add3A_682 = arith.addi %add3A_681, %shift_right_logical3A_680 : vector<16xi32>
        %scan3A_683 = arith.constant 0 : i32
        %scan3A_684 = arith.constant 0 : i32
        %scan3A_685 = arith.constant 18 : i32
        %scan3A_686 = arith.addi %scan3A_684, %scan3A_685 : i32
        %scan3A_687 = arith.constant 1 : i32
        scf.for %scan3A_1083 = %scan3A_684 to %scan3A_686 step %scan3A_687  : i32 {
          %add3A_1084 = vector.broadcast %scan3A_1083 : i32 to vector<16xi32>
          %add3A_1085 = arith.addi %add3A_682, %add3A_1084 : vector<16xi32>
          %gather3A_1086 = arith.constant 0 : i32
          %gather3A_1087 = arith.constant 0 : i32
          %gather3A_1088 = tpu.memref_slice %arg7[%rem3A_68, %gather3A_1086, %gather3A_1087] : memref<2x1600x16xf32, #tpu.memory_space<vmem>> -> memref<1x1600x16xf32, #tpu.memory_space<vmem>>
          %gather3A_1089 = tpu.memref_squeeze %gather3A_1088 : memref<1x1600x16xf32, #tpu.memory_space<vmem>> -> memref<1600x16xf32, #tpu.memory_space<vmem>>
          %gather3A_1090 = tpu.vector_load_idx %gather3A_1089[%add3A_1085, %and3A_673] : memref<1600x16xf32, #tpu.memory_space<vmem>>[vector<16xi32>, vector<16xi32>], vector<16xf32>,
          %mul3A_1091 = arith.constant 16 : i32
          %mul3A_1092 = arith.muli %scan3A_1083, %mul3A_1091 : i32
          %swap3A_1093 = arith.constant 0 : i32
          %swap3A_1094 = arith.constant 0 : i32
          %swap3A_1095 = tpu.memref_slice %arg8[%rem3A_68, %swap3A_1093, %swap3A_1094] : memref<2x80x300xf32, #tpu.memory_space<vmem>> -> memref<1x80x300xf32, #tpu.memory_space<vmem>>
          %swap3A_1096 = tpu.memref_squeeze %swap3A_1095 : memref<1x80x300xf32, #tpu.memory_space<vmem>> -> memref<80x300xf32, #tpu.memory_space<vmem>>
          %swap3A_1097 = arith.index_cast %add3A_668 : i32 to index
          %swap3A_1098 = arith.index_cast %mul3A_1092 : i32 to index
          %swap3A_1099 = tpu.vector_load %swap3A_1096[%swap3A_1097, %swap3A_1098] {strides = array<i32>} : memref<80x300xf32, #tpu.memory_space<vmem>>, vector<16xf32>,
          tpu.vector_store %swap3A_1096[%swap3A_1097, %swap3A_1098], %gather3A_1090 {strides = array<i32>} : memref<80x300xf32, #tpu.memory_space<vmem>>, vector<16xf32>,
        }
        %scan3A_688 = arith.constant 18 : i32
        %add3A_689 = vector.broadcast %squeeze3A_664 : i32 to vector<16xi32>
        %add3A_690 = arith.addi %iota3A, %add3A_689 : vector<16xi32>
        %add3A_691 = arith.constant 12 : i32
        %add3A_692 = vector.broadcast %add3A_691 : i32 to vector<16xi32>
        %add3A_693 = arith.addi %add3A_690, %add3A_692 : vector<16xi32>
        %and3A_694 = arith.constant 15 : i32
        %and3A_695 = vector.broadcast %and3A_694 : i32 to vector<16xi32>
        %and3A_696 = arith.andi %add3A_693, %and3A_695 : vector<16xi32>
        %mul3A_697 = arith.constant 20 : i32
        %mul3A_698 = arith.muli %add3A_668, %mul3A_697 : i32
        %add3A_699 = arith.constant 17 : i32
        %add3A_700 = arith.addi %mul3A_698, %add3A_699 : i32
        %add3A_701 = vector.broadcast %squeeze3A_664 : i32 to vector<16xi32>
        %add3A_702 = arith.addi %iota3A, %add3A_701 : vector<16xi32>
        %add3A_703 = arith.constant 12 : i32
        %add3A_704 = vector.broadcast %add3A_703 : i32 to vector<16xi32>
        %add3A_705 = arith.addi %add3A_702, %add3A_704 : vector<16xi32>
        %shift_right_logical3A_706 = arith.constant 4 : i32
        %shift_right_logical3A_707 = vector.broadcast %shift_right_logical3A_706 : i32 to vector<16xi32>
        %shift_right_logical3A_708 = arith.shrui %add3A_705, %shift_right_logical3A_707 : vector<16xi32>
        %add3A_709 = vector.broadcast %add3A_700 : i32 to vector<16xi32>
        %add3A_710 = arith.addi %add3A_709, %shift_right_logical3A_708 : vector<16xi32>
        %gather3A_711 = arith.constant 0 : i32
        %gather3A_712 = arith.constant 0 : i32
        %gather3A_713 = tpu.memref_slice %arg7[%rem3A_68, %gather3A_711, %gather3A_712] : memref<2x1600x16xf32, #tpu.memory_space<vmem>> -> memref<1x1600x16xf32, #tpu.memory_space<vmem>>
        %gather3A_714 = tpu.memref_squeeze %gather3A_713 : memref<1x1600x16xf32, #tpu.memory_space<vmem>> -> memref<1600x16xf32, #tpu.memory_space<vmem>>
        %gather3A_715 = tpu.vector_load_idx %gather3A_714[%add3A_710, %and3A_696] : memref<1600x16xf32, #tpu.memory_space<vmem>>[vector<16xi32>, vector<16xi32>], vector<16xf32>,
        %swap3A_716 = arith.constant 0 : i32
        %swap3A_717 = arith.constant 0 : i32
        %swap3A_718 = tpu.memref_slice %arg8[%rem3A_68, %swap3A_716, %swap3A_717] : memref<2x80x300xf32, #tpu.memory_space<vmem>> -> memref<1x80x300xf32, #tpu.memory_space<vmem>>
        %swap3A_719 = tpu.memref_squeeze %swap3A_718 : memref<1x80x300xf32, #tpu.memory_space<vmem>> -> memref<80x300xf32, #tpu.memory_space<vmem>>
        %swap3A_720 = arith.index_cast %add3A_668 : i32 to index
        %swap3A_721 = arith.constant 284 : index
        %swap3A_722 = tpu.vector_load %swap3A_719[%swap3A_720, %swap3A_721] {strides = array<i32>} : memref<80x300xf32, #tpu.memory_space<vmem>>, vector<16xf32>,
        tpu.vector_store %swap3A_719[%swap3A_720, %swap3A_721], %gather3A_715 {strides = array<i32>} : memref<80x300xf32, #tpu.memory_space<vmem>>, vector<16xf32>,
        %slice3A_723 = vector.extract_strided_slice %and3A_127 {offsets = [10], sizes = [1], strides = [1]} : vector<16xi32> to vector<1xi32>
        %squeeze3A_724 = vector.extract %slice3A_723[0] : i32 from vector<1xi32>
        %mul3A_725 = arith.constant 16 : i32
        %mul3A_726 = arith.muli %scan3A_116, %mul3A_725 : i32
        %add3A_727 = arith.constant 10 : i32
        %add3A_728 = arith.addi %mul3A_726, %add3A_727 : i32
        %add3A_729 = vector.broadcast %squeeze3A_724 : i32 to vector<16xi32>
        %add3A_730 = arith.addi %iota3A, %add3A_729 : vector<16xi32>
        %and3A_731 = arith.constant 15 : i32
        %and3A_732 = vector.broadcast %and3A_731 : i32 to vector<16xi32>
        %and3A_733 = arith.andi %add3A_730, %and3A_732 : vector<16xi32>
        %mul3A_734 = arith.constant 20 : i32
        %mul3A_735 = arith.muli %add3A_728, %mul3A_734 : i32
        %add3A_736 = vector.broadcast %squeeze3A_724 : i32 to vector<16xi32>
        %add3A_737 = arith.addi %iota3A, %add3A_736 : vector<16xi32>
        %shift_right_logical3A_738 = arith.constant 4 : i32
        %shift_right_logical3A_739 = vector.broadcast %shift_right_logical3A_738 : i32 to vector<16xi32>
        %shift_right_logical3A_740 = arith.shrui %add3A_737, %shift_right_logical3A_739 : vector<16xi32>
        %add3A_741 = vector.broadcast %mul3A_735 : i32 to vector<16xi32>
        %add3A_742 = arith.addi %add3A_741, %shift_right_logical3A_740 : vector<16xi32>
        %scan3A_743 = arith.constant 0 : i32
        %scan3A_744 = arith.constant 0 : i32
        %scan3A_745 = arith.constant 18 : i32
        %scan3A_746 = arith.addi %scan3A_744, %scan3A_745 : i32
        %scan3A_747 = arith.constant 1 : i32
        scf.for %scan3A_1083 = %scan3A_744 to %scan3A_746 step %scan3A_747  : i32 {
          %add3A_1084 = vector.broadcast %scan3A_1083 : i32 to vector<16xi32>
          %add3A_1085 = arith.addi %add3A_742, %add3A_1084 : vector<16xi32>
          %gather3A_1086 = arith.constant 0 : i32
          %gather3A_1087 = arith.constant 0 : i32
          %gather3A_1088 = tpu.memref_slice %arg7[%rem3A_68, %gather3A_1086, %gather3A_1087] : memref<2x1600x16xf32, #tpu.memory_space<vmem>> -> memref<1x1600x16xf32, #tpu.memory_space<vmem>>
          %gather3A_1089 = tpu.memref_squeeze %gather3A_1088 : memref<1x1600x16xf32, #tpu.memory_space<vmem>> -> memref<1600x16xf32, #tpu.memory_space<vmem>>
          %gather3A_1090 = tpu.vector_load_idx %gather3A_1089[%add3A_1085, %and3A_733] : memref<1600x16xf32, #tpu.memory_space<vmem>>[vector<16xi32>, vector<16xi32>], vector<16xf32>,
          %mul3A_1091 = arith.constant 16 : i32
          %mul3A_1092 = arith.muli %scan3A_1083, %mul3A_1091 : i32
          %swap3A_1093 = arith.constant 0 : i32
          %swap3A_1094 = arith.constant 0 : i32
          %swap3A_1095 = tpu.memref_slice %arg8[%rem3A_68, %swap3A_1093, %swap3A_1094] : memref<2x80x300xf32, #tpu.memory_space<vmem>> -> memref<1x80x300xf32, #tpu.memory_space<vmem>>
          %swap3A_1096 = tpu.memref_squeeze %swap3A_1095 : memref<1x80x300xf32, #tpu.memory_space<vmem>> -> memref<80x300xf32, #tpu.memory_space<vmem>>
          %swap3A_1097 = arith.index_cast %add3A_728 : i32 to index
          %swap3A_1098 = arith.index_cast %mul3A_1092 : i32 to index
          %swap3A_1099 = tpu.vector_load %swap3A_1096[%swap3A_1097, %swap3A_1098] {strides = array<i32>} : memref<80x300xf32, #tpu.memory_space<vmem>>, vector<16xf32>,
          tpu.vector_store %swap3A_1096[%swap3A_1097, %swap3A_1098], %gather3A_1090 {strides = array<i32>} : memref<80x300xf32, #tpu.memory_space<vmem>>, vector<16xf32>,
        }
        %scan3A_748 = arith.constant 18 : i32
        %add3A_749 = vector.broadcast %squeeze3A_724 : i32 to vector<16xi32>
        %add3A_750 = arith.addi %iota3A, %add3A_749 : vector<16xi32>
        %add3A_751 = arith.constant 12 : i32
        %add3A_752 = vector.broadcast %add3A_751 : i32 to vector<16xi32>
        %add3A_753 = arith.addi %add3A_750, %add3A_752 : vector<16xi32>
        %and3A_754 = arith.constant 15 : i32
        %and3A_755 = vector.broadcast %and3A_754 : i32 to vector<16xi32>
        %and3A_756 = arith.andi %add3A_753, %and3A_755 : vector<16xi32>
        %mul3A_757 = arith.constant 20 : i32
        %mul3A_758 = arith.muli %add3A_728, %mul3A_757 : i32
        %add3A_759 = arith.constant 17 : i32
        %add3A_760 = arith.addi %mul3A_758, %add3A_759 : i32
        %add3A_761 = vector.broadcast %squeeze3A_724 : i32 to vector<16xi32>
        %add3A_762 = arith.addi %iota3A, %add3A_761 : vector<16xi32>
        %add3A_763 = arith.constant 12 : i32
        %add3A_764 = vector.broadcast %add3A_763 : i32 to vector<16xi32>
        %add3A_765 = arith.addi %add3A_762, %add3A_764 : vector<16xi32>
        %shift_right_logical3A_766 = arith.constant 4 : i32
        %shift_right_logical3A_767 = vector.broadcast %shift_right_logical3A_766 : i32 to vector<16xi32>
        %shift_right_logical3A_768 = arith.shrui %add3A_765, %shift_right_logical3A_767 : vector<16xi32>
        %add3A_769 = vector.broadcast %add3A_760 : i32 to vector<16xi32>
        %add3A_770 = arith.addi %add3A_769, %shift_right_logical3A_768 : vector<16xi32>
        %gather3A_771 = arith.constant 0 : i32
        %gather3A_772 = arith.constant 0 : i32
        %gather3A_773 = tpu.memref_slice %arg7[%rem3A_68, %gather3A_771, %gather3A_772] : memref<2x1600x16xf32, #tpu.memory_space<vmem>> -> memref<1x1600x16xf32, #tpu.memory_space<vmem>>
        %gather3A_774 = tpu.memref_squeeze %gather3A_773 : memref<1x1600x16xf32, #tpu.memory_space<vmem>> -> memref<1600x16xf32, #tpu.memory_space<vmem>>
        %gather3A_775 = tpu.vector_load_idx %gather3A_774[%add3A_770, %and3A_756] : memref<1600x16xf32, #tpu.memory_space<vmem>>[vector<16xi32>, vector<16xi32>], vector<16xf32>,
        %swap3A_776 = arith.constant 0 : i32
        %swap3A_777 = arith.constant 0 : i32
        %swap3A_778 = tpu.memref_slice %arg8[%rem3A_68, %swap3A_776, %swap3A_777] : memref<2x80x300xf32, #tpu.memory_space<vmem>> -> memref<1x80x300xf32, #tpu.memory_space<vmem>>
        %swap3A_779 = tpu.memref_squeeze %swap3A_778 : memref<1x80x300xf32, #tpu.memory_space<vmem>> -> memref<80x300xf32, #tpu.memory_space<vmem>>
        %swap3A_780 = arith.index_cast %add3A_728 : i32 to index
        %swap3A_781 = arith.constant 284 : index
        %swap3A_782 = tpu.vector_load %swap3A_779[%swap3A_780, %swap3A_781] {strides = array<i32>} : memref<80x300xf32, #tpu.memory_space<vmem>>, vector<16xf32>,
        tpu.vector_store %swap3A_779[%swap3A_780, %swap3A_781], %gather3A_775 {strides = array<i32>} : memref<80x300xf32, #tpu.memory_space<vmem>>, vector<16xf32>,
        %slice3A_783 = vector.extract_strided_slice %and3A_127 {offsets = [11], sizes = [1], strides = [1]} : vector<16xi32> to vector<1xi32>
        %squeeze3A_784 = vector.extract %slice3A_783[0] : i32 from vector<1xi32>
        %mul3A_785 = arith.constant 16 : i32
        %mul3A_786 = arith.muli %scan3A_116, %mul3A_785 : i32
        %add3A_787 = arith.constant 11 : i32
        %add3A_788 = arith.addi %mul3A_786, %add3A_787 : i32
        %add3A_789 = vector.broadcast %squeeze3A_784 : i32 to vector<16xi32>
        %add3A_790 = arith.addi %iota3A, %add3A_789 : vector<16xi32>
        %and3A_791 = arith.constant 15 : i32
        %and3A_792 = vector.broadcast %and3A_791 : i32 to vector<16xi32>
        %and3A_793 = arith.andi %add3A_790, %and3A_792 : vector<16xi32>
        %mul3A_794 = arith.constant 20 : i32
        %mul3A_795 = arith.muli %add3A_788, %mul3A_794 : i32
        %add3A_796 = vector.broadcast %squeeze3A_784 : i32 to vector<16xi32>
        %add3A_797 = arith.addi %iota3A, %add3A_796 : vector<16xi32>
        %shift_right_logical3A_798 = arith.constant 4 : i32
        %shift_right_logical3A_799 = vector.broadcast %shift_right_logical3A_798 : i32 to vector<16xi32>
        %shift_right_logical3A_800 = arith.shrui %add3A_797, %shift_right_logical3A_799 : vector<16xi32>
        %add3A_801 = vector.broadcast %mul3A_795 : i32 to vector<16xi32>
        %add3A_802 = arith.addi %add3A_801, %shift_right_logical3A_800 : vector<16xi32>
        %scan3A_803 = arith.constant 0 : i32
        %scan3A_804 = arith.constant 0 : i32
        %scan3A_805 = arith.constant 18 : i32
        %scan3A_806 = arith.addi %scan3A_804, %scan3A_805 : i32
        %scan3A_807 = arith.constant 1 : i32
        scf.for %scan3A_1083 = %scan3A_804 to %scan3A_806 step %scan3A_807  : i32 {
          %add3A_1084 = vector.broadcast %scan3A_1083 : i32 to vector<16xi32>
          %add3A_1085 = arith.addi %add3A_802, %add3A_1084 : vector<16xi32>
          %gather3A_1086 = arith.constant 0 : i32
          %gather3A_1087 = arith.constant 0 : i32
          %gather3A_1088 = tpu.memref_slice %arg7[%rem3A_68, %gather3A_1086, %gather3A_1087] : memref<2x1600x16xf32, #tpu.memory_space<vmem>> -> memref<1x1600x16xf32, #tpu.memory_space<vmem>>
          %gather3A_1089 = tpu.memref_squeeze %gather3A_1088 : memref<1x1600x16xf32, #tpu.memory_space<vmem>> -> memref<1600x16xf32, #tpu.memory_space<vmem>>
          %gather3A_1090 = tpu.vector_load_idx %gather3A_1089[%add3A_1085, %and3A_793] : memref<1600x16xf32, #tpu.memory_space<vmem>>[vector<16xi32>, vector<16xi32>], vector<16xf32>,
          %mul3A_1091 = arith.constant 16 : i32
          %mul3A_1092 = arith.muli %scan3A_1083, %mul3A_1091 : i32
          %swap3A_1093 = arith.constant 0 : i32
          %swap3A_1094 = arith.constant 0 : i32
          %swap3A_1095 = tpu.memref_slice %arg8[%rem3A_68, %swap3A_1093, %swap3A_1094] : memref<2x80x300xf32, #tpu.memory_space<vmem>> -> memref<1x80x300xf32, #tpu.memory_space<vmem>>
          %swap3A_1096 = tpu.memref_squeeze %swap3A_1095 : memref<1x80x300xf32, #tpu.memory_space<vmem>> -> memref<80x300xf32, #tpu.memory_space<vmem>>
          %swap3A_1097 = arith.index_cast %add3A_788 : i32 to index
          %swap3A_1098 = arith.index_cast %mul3A_1092 : i32 to index
          %swap3A_1099 = tpu.vector_load %swap3A_1096[%swap3A_1097, %swap3A_1098] {strides = array<i32>} : memref<80x300xf32, #tpu.memory_space<vmem>>, vector<16xf32>,
          tpu.vector_store %swap3A_1096[%swap3A_1097, %swap3A_1098], %gather3A_1090 {strides = array<i32>} : memref<80x300xf32, #tpu.memory_space<vmem>>, vector<16xf32>,
        }
        %scan3A_808 = arith.constant 18 : i32
        %add3A_809 = vector.broadcast %squeeze3A_784 : i32 to vector<16xi32>
        %add3A_810 = arith.addi %iota3A, %add3A_809 : vector<16xi32>
        %add3A_811 = arith.constant 12 : i32
        %add3A_812 = vector.broadcast %add3A_811 : i32 to vector<16xi32>
        %add3A_813 = arith.addi %add3A_810, %add3A_812 : vector<16xi32>
        %and3A_814 = arith.constant 15 : i32
        %and3A_815 = vector.broadcast %and3A_814 : i32 to vector<16xi32>
        %and3A_816 = arith.andi %add3A_813, %and3A_815 : vector<16xi32>
        %mul3A_817 = arith.constant 20 : i32
        %mul3A_818 = arith.muli %add3A_788, %mul3A_817 : i32
        %add3A_819 = arith.constant 17 : i32
        %add3A_820 = arith.addi %mul3A_818, %add3A_819 : i32
        %add3A_821 = vector.broadcast %squeeze3A_784 : i32 to vector<16xi32>
        %add3A_822 = arith.addi %iota3A, %add3A_821 : vector<16xi32>
        %add3A_823 = arith.constant 12 : i32
        %add3A_824 = vector.broadcast %add3A_823 : i32 to vector<16xi32>
        %add3A_825 = arith.addi %add3A_822, %add3A_824 : vector<16xi32>
        %shift_right_logical3A_826 = arith.constant 4 : i32
        %shift_right_logical3A_827 = vector.broadcast %shift_right_logical3A_826 : i32 to vector<16xi32>
        %shift_right_logical3A_828 = arith.shrui %add3A_825, %shift_right_logical3A_827 : vector<16xi32>
        %add3A_829 = vector.broadcast %add3A_820 : i32 to vector<16xi32>
        %add3A_830 = arith.addi %add3A_829, %shift_right_logical3A_828 : vector<16xi32>
        %gather3A_831 = arith.constant 0 : i32
        %gather3A_832 = arith.constant 0 : i32
        %gather3A_833 = tpu.memref_slice %arg7[%rem3A_68, %gather3A_831, %gather3A_832] : memref<2x1600x16xf32, #tpu.memory_space<vmem>> -> memref<1x1600x16xf32, #tpu.memory_space<vmem>>
        %gather3A_834 = tpu.memref_squeeze %gather3A_833 : memref<1x1600x16xf32, #tpu.memory_space<vmem>> -> memref<1600x16xf32, #tpu.memory_space<vmem>>
        %gather3A_835 = tpu.vector_load_idx %gather3A_834[%add3A_830, %and3A_816] : memref<1600x16xf32, #tpu.memory_space<vmem>>[vector<16xi32>, vector<16xi32>], vector<16xf32>,
        %swap3A_836 = arith.constant 0 : i32
        %swap3A_837 = arith.constant 0 : i32
        %swap3A_838 = tpu.memref_slice %arg8[%rem3A_68, %swap3A_836, %swap3A_837] : memref<2x80x300xf32, #tpu.memory_space<vmem>> -> memref<1x80x300xf32, #tpu.memory_space<vmem>>
        %swap3A_839 = tpu.memref_squeeze %swap3A_838 : memref<1x80x300xf32, #tpu.memory_space<vmem>> -> memref<80x300xf32, #tpu.memory_space<vmem>>
        %swap3A_840 = arith.index_cast %add3A_788 : i32 to index
        %swap3A_841 = arith.constant 284 : index
        %swap3A_842 = tpu.vector_load %swap3A_839[%swap3A_840, %swap3A_841] {strides = array<i32>} : memref<80x300xf32, #tpu.memory_space<vmem>>, vector<16xf32>,
        tpu.vector_store %swap3A_839[%swap3A_840, %swap3A_841], %gather3A_835 {strides = array<i32>} : memref<80x300xf32, #tpu.memory_space<vmem>>, vector<16xf32>,
        %slice3A_843 = vector.extract_strided_slice %and3A_127 {offsets = [12], sizes = [1], strides = [1]} : vector<16xi32> to vector<1xi32>
        %squeeze3A_844 = vector.extract %slice3A_843[0] : i32 from vector<1xi32>
        %mul3A_845 = arith.constant 16 : i32
        %mul3A_846 = arith.muli %scan3A_116, %mul3A_845 : i32
        %add3A_847 = arith.constant 12 : i32
        %add3A_848 = arith.addi %mul3A_846, %add3A_847 : i32
        %add3A_849 = vector.broadcast %squeeze3A_844 : i32 to vector<16xi32>
        %add3A_850 = arith.addi %iota3A, %add3A_849 : vector<16xi32>
        %and3A_851 = arith.constant 15 : i32
        %and3A_852 = vector.broadcast %and3A_851 : i32 to vector<16xi32>
        %and3A_853 = arith.andi %add3A_850, %and3A_852 : vector<16xi32>
        %mul3A_854 = arith.constant 20 : i32
        %mul3A_855 = arith.muli %add3A_848, %mul3A_854 : i32
        %add3A_856 = vector.broadcast %squeeze3A_844 : i32 to vector<16xi32>
        %add3A_857 = arith.addi %iota3A, %add3A_856 : vector<16xi32>
        %shift_right_logical3A_858 = arith.constant 4 : i32
        %shift_right_logical3A_859 = vector.broadcast %shift_right_logical3A_858 : i32 to vector<16xi32>
        %shift_right_logical3A_860 = arith.shrui %add3A_857, %shift_right_logical3A_859 : vector<16xi32>
        %add3A_861 = vector.broadcast %mul3A_855 : i32 to vector<16xi32>
        %add3A_862 = arith.addi %add3A_861, %shift_right_logical3A_860 : vector<16xi32>
        %scan3A_863 = arith.constant 0 : i32
        %scan3A_864 = arith.constant 0 : i32
        %scan3A_865 = arith.constant 18 : i32
        %scan3A_866 = arith.addi %scan3A_864, %scan3A_865 : i32
        %scan3A_867 = arith.constant 1 : i32
        scf.for %scan3A_1083 = %scan3A_864 to %scan3A_866 step %scan3A_867  : i32 {
          %add3A_1084 = vector.broadcast %scan3A_1083 : i32 to vector<16xi32>
          %add3A_1085 = arith.addi %add3A_862, %add3A_1084 : vector<16xi32>
          %gather3A_1086 = arith.constant 0 : i32
          %gather3A_1087 = arith.constant 0 : i32
          %gather3A_1088 = tpu.memref_slice %arg7[%rem3A_68, %gather3A_1086, %gather3A_1087] : memref<2x1600x16xf32, #tpu.memory_space<vmem>> -> memref<1x1600x16xf32, #tpu.memory_space<vmem>>
          %gather3A_1089 = tpu.memref_squeeze %gather3A_1088 : memref<1x1600x16xf32, #tpu.memory_space<vmem>> -> memref<1600x16xf32, #tpu.memory_space<vmem>>
          %gather3A_1090 = tpu.vector_load_idx %gather3A_1089[%add3A_1085, %and3A_853] : memref<1600x16xf32, #tpu.memory_space<vmem>>[vector<16xi32>, vector<16xi32>], vector<16xf32>,
          %mul3A_1091 = arith.constant 16 : i32
          %mul3A_1092 = arith.muli %scan3A_1083, %mul3A_1091 : i32
          %swap3A_1093 = arith.constant 0 : i32
          %swap3A_1094 = arith.constant 0 : i32
          %swap3A_1095 = tpu.memref_slice %arg8[%rem3A_68, %swap3A_1093, %swap3A_1094] : memref<2x80x300xf32, #tpu.memory_space<vmem>> -> memref<1x80x300xf32, #tpu.memory_space<vmem>>
          %swap3A_1096 = tpu.memref_squeeze %swap3A_1095 : memref<1x80x300xf32, #tpu.memory_space<vmem>> -> memref<80x300xf32, #tpu.memory_space<vmem>>
          %swap3A_1097 = arith.index_cast %add3A_848 : i32 to index
          %swap3A_1098 = arith.index_cast %mul3A_1092 : i32 to index
          %swap3A_1099 = tpu.vector_load %swap3A_1096[%swap3A_1097, %swap3A_1098] {strides = array<i32>} : memref<80x300xf32, #tpu.memory_space<vmem>>, vector<16xf32>,
          tpu.vector_store %swap3A_1096[%swap3A_1097, %swap3A_1098], %gather3A_1090 {strides = array<i32>} : memref<80x300xf32, #tpu.memory_space<vmem>>, vector<16xf32>,
        }
        %scan3A_868 = arith.constant 18 : i32
        %add3A_869 = vector.broadcast %squeeze3A_844 : i32 to vector<16xi32>
        %add3A_870 = arith.addi %iota3A, %add3A_869 : vector<16xi32>
        %add3A_871 = arith.constant 12 : i32
        %add3A_872 = vector.broadcast %add3A_871 : i32 to vector<16xi32>
        %add3A_873 = arith.addi %add3A_870, %add3A_872 : vector<16xi32>
        %and3A_874 = arith.constant 15 : i32
        %and3A_875 = vector.broadcast %and3A_874 : i32 to vector<16xi32>
        %and3A_876 = arith.andi %add3A_873, %and3A_875 : vector<16xi32>
        %mul3A_877 = arith.constant 20 : i32
        %mul3A_878 = arith.muli %add3A_848, %mul3A_877 : i32
        %add3A_879 = arith.constant 17 : i32
        %add3A_880 = arith.addi %mul3A_878, %add3A_879 : i32
        %add3A_881 = vector.broadcast %squeeze3A_844 : i32 to vector<16xi32>
        %add3A_882 = arith.addi %iota3A, %add3A_881 : vector<16xi32>
        %add3A_883 = arith.constant 12 : i32
        %add3A_884 = vector.broadcast %add3A_883 : i32 to vector<16xi32>
        %add3A_885 = arith.addi %add3A_882, %add3A_884 : vector<16xi32>
        %shift_right_logical3A_886 = arith.constant 4 : i32
        %shift_right_logical3A_887 = vector.broadcast %shift_right_logical3A_886 : i32 to vector<16xi32>
        %shift_right_logical3A_888 = arith.shrui %add3A_885, %shift_right_logical3A_887 : vector<16xi32>
        %add3A_889 = vector.broadcast %add3A_880 : i32 to vector<16xi32>
        %add3A_890 = arith.addi %add3A_889, %shift_right_logical3A_888 : vector<16xi32>
        %gather3A_891 = arith.constant 0 : i32
        %gather3A_892 = arith.constant 0 : i32
        %gather3A_893 = tpu.memref_slice %arg7[%rem3A_68, %gather3A_891, %gather3A_892] : memref<2x1600x16xf32, #tpu.memory_space<vmem>> -> memref<1x1600x16xf32, #tpu.memory_space<vmem>>
        %gather3A_894 = tpu.memref_squeeze %gather3A_893 : memref<1x1600x16xf32, #tpu.memory_space<vmem>> -> memref<1600x16xf32, #tpu.memory_space<vmem>>
        %gather3A_895 = tpu.vector_load_idx %gather3A_894[%add3A_890, %and3A_876] : memref<1600x16xf32, #tpu.memory_space<vmem>>[vector<16xi32>, vector<16xi32>], vector<16xf32>,
        %swap3A_896 = arith.constant 0 : i32
        %swap3A_897 = arith.constant 0 : i32
        %swap3A_898 = tpu.memref_slice %arg8[%rem3A_68, %swap3A_896, %swap3A_897] : memref<2x80x300xf32, #tpu.memory_space<vmem>> -> memref<1x80x300xf32, #tpu.memory_space<vmem>>
        %swap3A_899 = tpu.memref_squeeze %swap3A_898 : memref<1x80x300xf32, #tpu.memory_space<vmem>> -> memref<80x300xf32, #tpu.memory_space<vmem>>
        %swap3A_900 = arith.index_cast %add3A_848 : i32 to index
        %swap3A_901 = arith.constant 284 : index
        %swap3A_902 = tpu.vector_load %swap3A_899[%swap3A_900, %swap3A_901] {strides = array<i32>} : memref<80x300xf32, #tpu.memory_space<vmem>>, vector<16xf32>,
        tpu.vector_store %swap3A_899[%swap3A_900, %swap3A_901], %gather3A_895 {strides = array<i32>} : memref<80x300xf32, #tpu.memory_space<vmem>>, vector<16xf32>,
        %slice3A_903 = vector.extract_strided_slice %and3A_127 {offsets = [13], sizes = [1], strides = [1]} : vector<16xi32> to vector<1xi32>
        %squeeze3A_904 = vector.extract %slice3A_903[0] : i32 from vector<1xi32>
        %mul3A_905 = arith.constant 16 : i32
        %mul3A_906 = arith.muli %scan3A_116, %mul3A_905 : i32
        %add3A_907 = arith.constant 13 : i32
        %add3A_908 = arith.addi %mul3A_906, %add3A_907 : i32
        %add3A_909 = vector.broadcast %squeeze3A_904 : i32 to vector<16xi32>
        %add3A_910 = arith.addi %iota3A, %add3A_909 : vector<16xi32>
        %and3A_911 = arith.constant 15 : i32
        %and3A_912 = vector.broadcast %and3A_911 : i32 to vector<16xi32>
        %and3A_913 = arith.andi %add3A_910, %and3A_912 : vector<16xi32>
        %mul3A_914 = arith.constant 20 : i32
        %mul3A_915 = arith.muli %add3A_908, %mul3A_914 : i32
        %add3A_916 = vector.broadcast %squeeze3A_904 : i32 to vector<16xi32>
        %add3A_917 = arith.addi %iota3A, %add3A_916 : vector<16xi32>
        %shift_right_logical3A_918 = arith.constant 4 : i32
        %shift_right_logical3A_919 = vector.broadcast %shift_right_logical3A_918 : i32 to vector<16xi32>
        %shift_right_logical3A_920 = arith.shrui %add3A_917, %shift_right_logical3A_919 : vector<16xi32>
        %add3A_921 = vector.broadcast %mul3A_915 : i32 to vector<16xi32>
        %add3A_922 = arith.addi %add3A_921, %shift_right_logical3A_920 : vector<16xi32>
        %scan3A_923 = arith.constant 0 : i32
        %scan3A_924 = arith.constant 0 : i32
        %scan3A_925 = arith.constant 18 : i32
        %scan3A_926 = arith.addi %scan3A_924, %scan3A_925 : i32
        %scan3A_927 = arith.constant 1 : i32
        scf.for %scan3A_1083 = %scan3A_924 to %scan3A_926 step %scan3A_927  : i32 {
          %add3A_1084 = vector.broadcast %scan3A_1083 : i32 to vector<16xi32>
          %add3A_1085 = arith.addi %add3A_922, %add3A_1084 : vector<16xi32>
          %gather3A_1086 = arith.constant 0 : i32
          %gather3A_1087 = arith.constant 0 : i32
          %gather3A_1088 = tpu.memref_slice %arg7[%rem3A_68, %gather3A_1086, %gather3A_1087] : memref<2x1600x16xf32, #tpu.memory_space<vmem>> -> memref<1x1600x16xf32, #tpu.memory_space<vmem>>
          %gather3A_1089 = tpu.memref_squeeze %gather3A_1088 : memref<1x1600x16xf32, #tpu.memory_space<vmem>> -> memref<1600x16xf32, #tpu.memory_space<vmem>>
          %gather3A_1090 = tpu.vector_load_idx %gather3A_1089[%add3A_1085, %and3A_913] : memref<1600x16xf32, #tpu.memory_space<vmem>>[vector<16xi32>, vector<16xi32>], vector<16xf32>,
          %mul3A_1091 = arith.constant 16 : i32
          %mul3A_1092 = arith.muli %scan3A_1083, %mul3A_1091 : i32
          %swap3A_1093 = arith.constant 0 : i32
          %swap3A_1094 = arith.constant 0 : i32
          %swap3A_1095 = tpu.memref_slice %arg8[%rem3A_68, %swap3A_1093, %swap3A_1094] : memref<2x80x300xf32, #tpu.memory_space<vmem>> -> memref<1x80x300xf32, #tpu.memory_space<vmem>>
          %swap3A_1096 = tpu.memref_squeeze %swap3A_1095 : memref<1x80x300xf32, #tpu.memory_space<vmem>> -> memref<80x300xf32, #tpu.memory_space<vmem>>
          %swap3A_1097 = arith.index_cast %add3A_908 : i32 to index
          %swap3A_1098 = arith.index_cast %mul3A_1092 : i32 to index
          %swap3A_1099 = tpu.vector_load %swap3A_1096[%swap3A_1097, %swap3A_1098] {strides = array<i32>} : memref<80x300xf32, #tpu.memory_space<vmem>>, vector<16xf32>,
          tpu.vector_store %swap3A_1096[%swap3A_1097, %swap3A_1098], %gather3A_1090 {strides = array<i32>} : memref<80x300xf32, #tpu.memory_space<vmem>>, vector<16xf32>,
        }
        %scan3A_928 = arith.constant 18 : i32
        %add3A_929 = vector.broadcast %squeeze3A_904 : i32 to vector<16xi32>
        %add3A_930 = arith.addi %iota3A, %add3A_929 : vector<16xi32>
        %add3A_931 = arith.constant 12 : i32
        %add3A_932 = vector.broadcast %add3A_931 : i32 to vector<16xi32>
        %add3A_933 = arith.addi %add3A_930, %add3A_932 : vector<16xi32>
        %and3A_934 = arith.constant 15 : i32
        %and3A_935 = vector.broadcast %and3A_934 : i32 to vector<16xi32>
        %and3A_936 = arith.andi %add3A_933, %and3A_935 : vector<16xi32>
        %mul3A_937 = arith.constant 20 : i32
        %mul3A_938 = arith.muli %add3A_908, %mul3A_937 : i32
        %add3A_939 = arith.constant 17 : i32
        %add3A_940 = arith.addi %mul3A_938, %add3A_939 : i32
        %add3A_941 = vector.broadcast %squeeze3A_904 : i32 to vector<16xi32>
        %add3A_942 = arith.addi %iota3A, %add3A_941 : vector<16xi32>
        %add3A_943 = arith.constant 12 : i32
        %add3A_944 = vector.broadcast %add3A_943 : i32 to vector<16xi32>
        %add3A_945 = arith.addi %add3A_942, %add3A_944 : vector<16xi32>
        %shift_right_logical3A_946 = arith.constant 4 : i32
        %shift_right_logical3A_947 = vector.broadcast %shift_right_logical3A_946 : i32 to vector<16xi32>
        %shift_right_logical3A_948 = arith.shrui %add3A_945, %shift_right_logical3A_947 : vector<16xi32>
        %add3A_949 = vector.broadcast %add3A_940 : i32 to vector<16xi32>
        %add3A_950 = arith.addi %add3A_949, %shift_right_logical3A_948 : vector<16xi32>
        %gather3A_951 = arith.constant 0 : i32
        %gather3A_952 = arith.constant 0 : i32
        %gather3A_953 = tpu.memref_slice %arg7[%rem3A_68, %gather3A_951, %gather3A_952] : memref<2x1600x16xf32, #tpu.memory_space<vmem>> -> memref<1x1600x16xf32, #tpu.memory_space<vmem>>
        %gather3A_954 = tpu.memref_squeeze %gather3A_953 : memref<1x1600x16xf32, #tpu.memory_space<vmem>> -> memref<1600x16xf32, #tpu.memory_space<vmem>>
        %gather3A_955 = tpu.vector_load_idx %gather3A_954[%add3A_950, %and3A_936] : memref<1600x16xf32, #tpu.memory_space<vmem>>[vector<16xi32>, vector<16xi32>], vector<16xf32>,
        %swap3A_956 = arith.constant 0 : i32
        %swap3A_957 = arith.constant 0 : i32
        %swap3A_958 = tpu.memref_slice %arg8[%rem3A_68, %swap3A_956, %swap3A_957] : memref<2x80x300xf32, #tpu.memory_space<vmem>> -> memref<1x80x300xf32, #tpu.memory_space<vmem>>
        %swap3A_959 = tpu.memref_squeeze %swap3A_958 : memref<1x80x300xf32, #tpu.memory_space<vmem>> -> memref<80x300xf32, #tpu.memory_space<vmem>>
        %swap3A_960 = arith.index_cast %add3A_908 : i32 to index
        %swap3A_961 = arith.constant 284 : index
        %swap3A_962 = tpu.vector_load %swap3A_959[%swap3A_960, %swap3A_961] {strides = array<i32>} : memref<80x300xf32, #tpu.memory_space<vmem>>, vector<16xf32>,
        tpu.vector_store %swap3A_959[%swap3A_960, %swap3A_961], %gather3A_955 {strides = array<i32>} : memref<80x300xf32, #tpu.memory_space<vmem>>, vector<16xf32>,
        %slice3A_963 = vector.extract_strided_slice %and3A_127 {offsets = [14], sizes = [1], strides = [1]} : vector<16xi32> to vector<1xi32>
        %squeeze3A_964 = vector.extract %slice3A_963[0] : i32 from vector<1xi32>
        %mul3A_965 = arith.constant 16 : i32
        %mul3A_966 = arith.muli %scan3A_116, %mul3A_965 : i32
        %add3A_967 = arith.constant 14 : i32
        %add3A_968 = arith.addi %mul3A_966, %add3A_967 : i32
        %add3A_969 = vector.broadcast %squeeze3A_964 : i32 to vector<16xi32>
        %add3A_970 = arith.addi %iota3A, %add3A_969 : vector<16xi32>
        %and3A_971 = arith.constant 15 : i32
        %and3A_972 = vector.broadcast %and3A_971 : i32 to vector<16xi32>
        %and3A_973 = arith.andi %add3A_970, %and3A_972 : vector<16xi32>
        %mul3A_974 = arith.constant 20 : i32
        %mul3A_975 = arith.muli %add3A_968, %mul3A_974 : i32
        %add3A_976 = vector.broadcast %squeeze3A_964 : i32 to vector<16xi32>
        %add3A_977 = arith.addi %iota3A, %add3A_976 : vector<16xi32>
        %shift_right_logical3A_978 = arith.constant 4 : i32
        %shift_right_logical3A_979 = vector.broadcast %shift_right_logical3A_978 : i32 to vector<16xi32>
        %shift_right_logical3A_980 = arith.shrui %add3A_977, %shift_right_logical3A_979 : vector<16xi32>
        %add3A_981 = vector.broadcast %mul3A_975 : i32 to vector<16xi32>
        %add3A_982 = arith.addi %add3A_981, %shift_right_logical3A_980 : vector<16xi32>
        %scan3A_983 = arith.constant 0 : i32
        %scan3A_984 = arith.constant 0 : i32
        %scan3A_985 = arith.constant 18 : i32
        %scan3A_986 = arith.addi %scan3A_984, %scan3A_985 : i32
        %scan3A_987 = arith.constant 1 : i32
        scf.for %scan3A_1083 = %scan3A_984 to %scan3A_986 step %scan3A_987  : i32 {
          %add3A_1084 = vector.broadcast %scan3A_1083 : i32 to vector<16xi32>
          %add3A_1085 = arith.addi %add3A_982, %add3A_1084 : vector<16xi32>
          %gather3A_1086 = arith.constant 0 : i32
          %gather3A_1087 = arith.constant 0 : i32
          %gather3A_1088 = tpu.memref_slice %arg7[%rem3A_68, %gather3A_1086, %gather3A_1087] : memref<2x1600x16xf32, #tpu.memory_space<vmem>> -> memref<1x1600x16xf32, #tpu.memory_space<vmem>>
          %gather3A_1089 = tpu.memref_squeeze %gather3A_1088 : memref<1x1600x16xf32, #tpu.memory_space<vmem>> -> memref<1600x16xf32, #tpu.memory_space<vmem>>
          %gather3A_1090 = tpu.vector_load_idx %gather3A_1089[%add3A_1085, %and3A_973] : memref<1600x16xf32, #tpu.memory_space<vmem>>[vector<16xi32>, vector<16xi32>], vector<16xf32>,
          %mul3A_1091 = arith.constant 16 : i32
          %mul3A_1092 = arith.muli %scan3A_1083, %mul3A_1091 : i32
          %swap3A_1093 = arith.constant 0 : i32
          %swap3A_1094 = arith.constant 0 : i32
          %swap3A_1095 = tpu.memref_slice %arg8[%rem3A_68, %swap3A_1093, %swap3A_1094] : memref<2x80x300xf32, #tpu.memory_space<vmem>> -> memref<1x80x300xf32, #tpu.memory_space<vmem>>
          %swap3A_1096 = tpu.memref_squeeze %swap3A_1095 : memref<1x80x300xf32, #tpu.memory_space<vmem>> -> memref<80x300xf32, #tpu.memory_space<vmem>>
          %swap3A_1097 = arith.index_cast %add3A_968 : i32 to index
          %swap3A_1098 = arith.index_cast %mul3A_1092 : i32 to index
          %swap3A_1099 = tpu.vector_load %swap3A_1096[%swap3A_1097, %swap3A_1098] {strides = array<i32>} : memref<80x300xf32, #tpu.memory_space<vmem>>, vector<16xf32>,
          tpu.vector_store %swap3A_1096[%swap3A_1097, %swap3A_1098], %gather3A_1090 {strides = array<i32>} : memref<80x300xf32, #tpu.memory_space<vmem>>, vector<16xf32>,
        }
        %scan3A_988 = arith.constant 18 : i32
        %add3A_989 = vector.broadcast %squeeze3A_964 : i32 to vector<16xi32>
        %add3A_990 = arith.addi %iota3A, %add3A_989 : vector<16xi32>
        %add3A_991 = arith.constant 12 : i32
        %add3A_992 = vector.broadcast %add3A_991 : i32 to vector<16xi32>
        %add3A_993 = arith.addi %add3A_990, %add3A_992 : vector<16xi32>
        %and3A_994 = arith.constant 15 : i32
        %and3A_995 = vector.broadcast %and3A_994 : i32 to vector<16xi32>
        %and3A_996 = arith.andi %add3A_993, %and3A_995 : vector<16xi32>
        %mul3A_997 = arith.constant 20 : i32
        %mul3A_998 = arith.muli %add3A_968, %mul3A_997 : i32
        %add3A_999 = arith.constant 17 : i32
        %add3A_1000 = arith.addi %mul3A_998, %add3A_999 : i32
        %add3A_1001 = vector.broadcast %squeeze3A_964 : i32 to vector<16xi32>
        %add3A_1002 = arith.addi %iota3A, %add3A_1001 : vector<16xi32>
        %add3A_1003 = arith.constant 12 : i32
        %add3A_1004 = vector.broadcast %add3A_1003 : i32 to vector<16xi32>
        %add3A_1005 = arith.addi %add3A_1002, %add3A_1004 : vector<16xi32>
        %shift_right_logical3A_1006 = arith.constant 4 : i32
        %shift_right_logical3A_1007 = vector.broadcast %shift_right_logical3A_1006 : i32 to vector<16xi32>
        %shift_right_logical3A_1008 = arith.shrui %add3A_1005, %shift_right_logical3A_1007 : vector<16xi32>
        %add3A_1009 = vector.broadcast %add3A_1000 : i32 to vector<16xi32>
        %add3A_1010 = arith.addi %add3A_1009, %shift_right_logical3A_1008 : vector<16xi32>
        %gather3A_1011 = arith.constant 0 : i32
        %gather3A_1012 = arith.constant 0 : i32
        %gather3A_1013 = tpu.memref_slice %arg7[%rem3A_68, %gather3A_1011, %gather3A_1012] : memref<2x1600x16xf32, #tpu.memory_space<vmem>> -> memref<1x1600x16xf32, #tpu.memory_space<vmem>>
        %gather3A_1014 = tpu.memref_squeeze %gather3A_1013 : memref<1x1600x16xf32, #tpu.memory_space<vmem>> -> memref<1600x16xf32, #tpu.memory_space<vmem>>
        %gather3A_1015 = tpu.vector_load_idx %gather3A_1014[%add3A_1010, %and3A_996] : memref<1600x16xf32, #tpu.memory_space<vmem>>[vector<16xi32>, vector<16xi32>], vector<16xf32>,
        %swap3A_1016 = arith.constant 0 : i32
        %swap3A_1017 = arith.constant 0 : i32
        %swap3A_1018 = tpu.memref_slice %arg8[%rem3A_68, %swap3A_1016, %swap3A_1017] : memref<2x80x300xf32, #tpu.memory_space<vmem>> -> memref<1x80x300xf32, #tpu.memory_space<vmem>>
        %swap3A_1019 = tpu.memref_squeeze %swap3A_1018 : memref<1x80x300xf32, #tpu.memory_space<vmem>> -> memref<80x300xf32, #tpu.memory_space<vmem>>
        %swap3A_1020 = arith.index_cast %add3A_968 : i32 to index
        %swap3A_1021 = arith.constant 284 : index
        %swap3A_1022 = tpu.vector_load %swap3A_1019[%swap3A_1020, %swap3A_1021] {strides = array<i32>} : memref<80x300xf32, #tpu.memory_space<vmem>>, vector<16xf32>,
        tpu.vector_store %swap3A_1019[%swap3A_1020, %swap3A_1021], %gather3A_1015 {strides = array<i32>} : memref<80x300xf32, #tpu.memory_space<vmem>>, vector<16xf32>,
        %slice3A_1023 = vector.extract_strided_slice %and3A_127 {offsets = [15], sizes = [1], strides = [1]} : vector<16xi32> to vector<1xi32>
        %squeeze3A_1024 = vector.extract %slice3A_1023[0] : i32 from vector<1xi32>
        %mul3A_1025 = arith.constant 16 : i32
        %mul3A_1026 = arith.muli %scan3A_116, %mul3A_1025 : i32
        %add3A_1027 = arith.constant 15 : i32
        %add3A_1028 = arith.addi %mul3A_1026, %add3A_1027 : i32
        %add3A_1029 = vector.broadcast %squeeze3A_1024 : i32 to vector<16xi32>
        %add3A_1030 = arith.addi %iota3A, %add3A_1029 : vector<16xi32>
        %and3A_1031 = arith.constant 15 : i32
        %and3A_1032 = vector.broadcast %and3A_1031 : i32 to vector<16xi32>
        %and3A_1033 = arith.andi %add3A_1030, %and3A_1032 : vector<16xi32>
        %mul3A_1034 = arith.constant 20 : i32
        %mul3A_1035 = arith.muli %add3A_1028, %mul3A_1034 : i32
        %add3A_1036 = vector.broadcast %squeeze3A_1024 : i32 to vector<16xi32>
        %add3A_1037 = arith.addi %iota3A, %add3A_1036 : vector<16xi32>
        %shift_right_logical3A_1038 = arith.constant 4 : i32
        %shift_right_logical3A_1039 = vector.broadcast %shift_right_logical3A_1038 : i32 to vector<16xi32>
        %shift_right_logical3A_1040 = arith.shrui %add3A_1037, %shift_right_logical3A_1039 : vector<16xi32>
        %add3A_1041 = vector.broadcast %mul3A_1035 : i32 to vector<16xi32>
        %add3A_1042 = arith.addi %add3A_1041, %shift_right_logical3A_1040 : vector<16xi32>
        %scan3A_1043 = arith.constant 0 : i32
        %scan3A_1044 = arith.constant 0 : i32
        %scan3A_1045 = arith.constant 18 : i32
        %scan3A_1046 = arith.addi %scan3A_1044, %scan3A_1045 : i32
        %scan3A_1047 = arith.constant 1 : i32
        scf.for %scan3A_1083 = %scan3A_1044 to %scan3A_1046 step %scan3A_1047  : i32 {
          %add3A_1084 = vector.broadcast %scan3A_1083 : i32 to vector<16xi32>
          %add3A_1085 = arith.addi %add3A_1042, %add3A_1084 : vector<16xi32>
          %gather3A_1086 = arith.constant 0 : i32
          %gather3A_1087 = arith.constant 0 : i32
          %gather3A_1088 = tpu.memref_slice %arg7[%rem3A_68, %gather3A_1086, %gather3A_1087] : memref<2x1600x16xf32, #tpu.memory_space<vmem>> -> memref<1x1600x16xf32, #tpu.memory_space<vmem>>
          %gather3A_1089 = tpu.memref_squeeze %gather3A_1088 : memref<1x1600x16xf32, #tpu.memory_space<vmem>> -> memref<1600x16xf32, #tpu.memory_space<vmem>>
          %gather3A_1090 = tpu.vector_load_idx %gather3A_1089[%add3A_1085, %and3A_1033] : memref<1600x16xf32, #tpu.memory_space<vmem>>[vector<16xi32>, vector<16xi32>], vector<16xf32>,
          %mul3A_1091 = arith.constant 16 : i32
          %mul3A_1092 = arith.muli %scan3A_1083, %mul3A_1091 : i32
          %swap3A_1093 = arith.constant 0 : i32
          %swap3A_1094 = arith.constant 0 : i32
          %swap3A_1095 = tpu.memref_slice %arg8[%rem3A_68, %swap3A_1093, %swap3A_1094] : memref<2x80x300xf32, #tpu.memory_space<vmem>> -> memref<1x80x300xf32, #tpu.memory_space<vmem>>
          %swap3A_1096 = tpu.memref_squeeze %swap3A_1095 : memref<1x80x300xf32, #tpu.memory_space<vmem>> -> memref<80x300xf32, #tpu.memory_space<vmem>>
          %swap3A_1097 = arith.index_cast %add3A_1028 : i32 to index
          %swap3A_1098 = arith.index_cast %mul3A_1092 : i32 to index
          %swap3A_1099 = tpu.vector_load %swap3A_1096[%swap3A_1097, %swap3A_1098] {strides = array<i32>} : memref<80x300xf32, #tpu.memory_space<vmem>>, vector<16xf32>,
          tpu.vector_store %swap3A_1096[%swap3A_1097, %swap3A_1098], %gather3A_1090 {strides = array<i32>} : memref<80x300xf32, #tpu.memory_space<vmem>>, vector<16xf32>,
        }
        %scan3A_1048 = arith.constant 18 : i32
        %add3A_1049 = vector.broadcast %squeeze3A_1024 : i32 to vector<16xi32>
        %add3A_1050 = arith.addi %iota3A, %add3A_1049 : vector<16xi32>
        %add3A_1051 = arith.constant 12 : i32
        %add3A_1052 = vector.broadcast %add3A_1051 : i32 to vector<16xi32>
        %add3A_1053 = arith.addi %add3A_1050, %add3A_1052 : vector<16xi32>
        %and3A_1054 = arith.constant 15 : i32
        %and3A_1055 = vector.broadcast %and3A_1054 : i32 to vector<16xi32>
        %and3A_1056 = arith.andi %add3A_1053, %and3A_1055 : vector<16xi32>
        %mul3A_1057 = arith.constant 20 : i32
        %mul3A_1058 = arith.muli %add3A_1028, %mul3A_1057 : i32
        %add3A_1059 = arith.constant 17 : i32
        %add3A_1060 = arith.addi %mul3A_1058, %add3A_1059 : i32
        %add3A_1061 = vector.broadcast %squeeze3A_1024 : i32 to vector<16xi32>
        %add3A_1062 = arith.addi %iota3A, %add3A_1061 : vector<16xi32>
        %add3A_1063 = arith.constant 12 : i32
        %add3A_1064 = vector.broadcast %add3A_1063 : i32 to vector<16xi32>
        %add3A_1065 = arith.addi %add3A_1062, %add3A_1064 : vector<16xi32>
        %shift_right_logical3A_1066 = arith.constant 4 : i32
        %shift_right_logical3A_1067 = vector.broadcast %shift_right_logical3A_1066 : i32 to vector<16xi32>
        %shift_right_logical3A_1068 = arith.shrui %add3A_1065, %shift_right_logical3A_1067 : vector<16xi32>
        %add3A_1069 = vector.broadcast %add3A_1060 : i32 to vector<16xi32>
        %add3A_1070 = arith.addi %add3A_1069, %shift_right_logical3A_1068 : vector<16xi32>
        %gather3A_1071 = arith.constant 0 : i32
        %gather3A_1072 = arith.constant 0 : i32
        %gather3A_1073 = tpu.memref_slice %arg7[%rem3A_68, %gather3A_1071, %gather3A_1072] : memref<2x1600x16xf32, #tpu.memory_space<vmem>> -> memref<1x1600x16xf32, #tpu.memory_space<vmem>>
        %gather3A_1074 = tpu.memref_squeeze %gather3A_1073 : memref<1x1600x16xf32, #tpu.memory_space<vmem>> -> memref<1600x16xf32, #tpu.memory_space<vmem>>
        %gather3A_1075 = tpu.vector_load_idx %gather3A_1074[%add3A_1070, %and3A_1056] : memref<1600x16xf32, #tpu.memory_space<vmem>>[vector<16xi32>, vector<16xi32>], vector<16xf32>,
        %swap3A_1076 = arith.constant 0 : i32
        %swap3A_1077 = arith.constant 0 : i32
        %swap3A_1078 = tpu.memref_slice %arg8[%rem3A_68, %swap3A_1076, %swap3A_1077] : memref<2x80x300xf32, #tpu.memory_space<vmem>> -> memref<1x80x300xf32, #tpu.memory_space<vmem>>
        %swap3A_1079 = tpu.memref_squeeze %swap3A_1078 : memref<1x80x300xf32, #tpu.memory_space<vmem>> -> memref<80x300xf32, #tpu.memory_space<vmem>>
        %swap3A_1080 = arith.index_cast %add3A_1028 : i32 to index
        %swap3A_1081 = arith.constant 284 : index
        %swap3A_1082 = tpu.vector_load %swap3A_1079[%swap3A_1080, %swap3A_1081] {strides = array<i32>} : memref<80x300xf32, #tpu.memory_space<vmem>>, vector<16xf32>,
        tpu.vector_store %swap3A_1079[%swap3A_1080, %swap3A_1081], %gather3A_1075 {strides = array<i32>} : memref<80x300xf32, #tpu.memory_space<vmem>>, vector<16xf32>,
      }
      %scan3A_98 = arith.constant 5 : i32
      %mul3A_99 = arith.constant 80 : i32
      %mul3A_100 = arith.muli %scan3A_67, %mul3A_99 : i32
      %add3A_101 = arith.addi %mul3A_2, %mul3A_100 : i32
      %dma_start3A_102 = arith.constant 0 : i32
      %dma_start3A_103 = arith.constant 0 : i32
      %dma_start3A_104 = tpu.memref_slice %arg8[%rem3A_68, %dma_start3A_102, %dma_start3A_103] : memref<2x80x300xf32, #tpu.memory_space<vmem>> -> memref<1x80x300xf32, #tpu.memory_space<vmem>>
      %dma_start3A_105 = tpu.memref_squeeze %dma_start3A_104 : memref<1x80x300xf32, #tpu.memory_space<vmem>> -> memref<80x300xf32, #tpu.memory_space<vmem>>
      %dma_start3A_106 = arith.constant 0 : i32
      %dma_start3A_107 = tpu.memref_slice %arg4[%add3A_101, %dma_start3A_106] : memref<51200x300xf32, #tpu.memory_space<hbm>> -> memref<80x300xf32, #tpu.memory_space<hbm>>
      %dma_start3A_108 = tpu.memref_slice %arg11[%rem3A_68] : memref<2x!tpu.dma_semaphore, #tpu.memory_space<semaphore_mem>> -> memref<1x!tpu.dma_semaphore, #tpu.memory_space<semaphore_mem>>
      %dma_start3A_109 = tpu.memref_squeeze %dma_start3A_108 : memref<1x!tpu.dma_semaphore, #tpu.memory_space<semaphore_mem>> -> memref<!tpu.dma_semaphore, #tpu.memory_space<semaphore_mem>>
      %dma_start3A_110 = arith.constant 0 : i32
      %dma_start3A_111 = tpu.memref_slice %arg4[%add3A_101, %dma_start3A_110] : memref<51200x300xf32, #tpu.memory_space<hbm>> -> memref<80x300xf32, #tpu.memory_space<hbm>>
      %dma_start3A_112 = arith.constant 0 : i32
      %dma_start3A_113 = arith.constant 0 : i32
      %dma_start3A_114 = tpu.memref_slice %arg8[%rem3A_68, %dma_start3A_112, %dma_start3A_113] : memref<2x80x300xf32, #tpu.memory_space<vmem>> -> memref<1x80x300xf32, #tpu.memory_space<vmem>>
      %dma_start3A_115 = tpu.memref_squeeze %dma_start3A_114 : memref<1x80x300xf32, #tpu.memory_space<vmem>> -> memref<80x300xf32, #tpu.memory_space<vmem>>
      tpu.enqueue_dma source(%dma_start3A_115 : memref<80x300xf32, #tpu.memory_space<vmem>>) target(%dma_start3A_111 : memref<80x300xf32, #tpu.memory_space<hbm>>) target_semaphore(%dma_start3A_109 : memref<!tpu.dma_semaphore, #tpu.memory_space<semaphore_mem>>)
    }
    %scan3A_30 = arith.constant 20 : i32
    %add3A_31 = arith.constant 1440 : i32
    %add3A_32 = arith.addi %mul3A_2, %add3A_31 : i32
    %dma_wait3A_33 = arith.constant 0 : i32
    %dma_wait3A_34 = arith.constant 0 : i32
    %dma_wait3A_35 = arith.constant 0 : i32
    %dma_wait3A_36 = arith.constant 0 : i32
    %dma_wait3A_37 = tpu.memref_slice %arg8[%dma_wait3A_33, %dma_wait3A_35, %dma_wait3A_36] : memref<2x80x300xf32, #tpu.memory_space<vmem>> -> memref<1x80x300xf32, #tpu.memory_space<vmem>>
    %dma_wait3A_38 = tpu.memref_squeeze %dma_wait3A_37 : memref<1x80x300xf32, #tpu.memory_space<vmem>> -> memref<80x300xf32, #tpu.memory_space<vmem>>
    %dma_wait3A_39 = arith.constant 0 : i32
    %dma_wait3A_40 = tpu.memref_slice %arg4[%add3A_32, %dma_wait3A_39] : memref<51200x300xf32, #tpu.memory_space<hbm>> -> memref<80x300xf32, #tpu.memory_space<hbm>>
    %dma_wait3A_41 = tpu.memref_slice %arg11[%dma_wait3A_34] : memref<2x!tpu.dma_semaphore, #tpu.memory_space<semaphore_mem>> -> memref<1x!tpu.dma_semaphore, #tpu.memory_space<semaphore_mem>>
    %dma_wait3A_42 = tpu.memref_squeeze %dma_wait3A_41 : memref<1x!tpu.dma_semaphore, #tpu.memory_space<semaphore_mem>> -> memref<!tpu.dma_semaphore, #tpu.memory_space<semaphore_mem>>
    %dma_wait3A_43 = arith.constant 0 : i32
    %dma_wait3A_44 = tpu.memref_slice %arg4[%add3A_32, %dma_wait3A_43] : memref<51200x300xf32, #tpu.memory_space<hbm>> -> memref<80x300xf32, #tpu.memory_space<hbm>>
    %dma_wait3A_45 = arith.constant 0 : i32
    %dma_wait3A_46 = arith.constant 0 : i32
    %dma_wait3A_47 = tpu.memref_slice %arg8[%dma_wait3A_33, %dma_wait3A_45, %dma_wait3A_46] : memref<2x80x300xf32, #tpu.memory_space<vmem>> -> memref<1x80x300xf32, #tpu.memory_space<vmem>>
    %dma_wait3A_48 = tpu.memref_squeeze %dma_wait3A_47 : memref<1x80x300xf32, #tpu.memory_space<vmem>> -> memref<80x300xf32, #tpu.memory_space<vmem>>
    tpu.wait_dma2 semaphore(%dma_wait3A_42 : memref<!tpu.dma_semaphore, #tpu.memory_space<semaphore_mem>>) src(%dma_wait3A_48 : memref<80x300xf32, #tpu.memory_space<vmem>>) dst(%dma_wait3A_44 : memref<80x300xf32, #tpu.memory_space<hbm>>)
    %add3A_49 = arith.constant 1520 : i32
    %add3A_50 = arith.addi %mul3A_2, %add3A_49 : i32
    %dma_wait3A_51 = arith.constant 1 : i32
    %dma_wait3A_52 = arith.constant 1 : i32
    %dma_wait3A_53 = arith.constant 0 : i32
    %dma_wait3A_54 = arith.constant 0 : i32
    %dma_wait3A_55 = tpu.memref_slice %arg8[%dma_wait3A_51, %dma_wait3A_53, %dma_wait3A_54] : memref<2x80x300xf32, #tpu.memory_space<vmem>> -> memref<1x80x300xf32, #tpu.memory_space<vmem>>
    %dma_wait3A_56 = tpu.memref_squeeze %dma_wait3A_55 : memref<1x80x300xf32, #tpu.memory_space<vmem>> -> memref<80x300xf32, #tpu.memory_space<vmem>>
    %dma_wait3A_57 = arith.constant 0 : i32
    %dma_wait3A_58 = tpu.memref_slice %arg4[%add3A_50, %dma_wait3A_57] : memref<51200x300xf32, #tpu.memory_space<hbm>> -> memref<80x300xf32, #tpu.memory_space<hbm>>
    %dma_wait3A_59 = tpu.memref_slice %arg11[%dma_wait3A_52] : memref<2x!tpu.dma_semaphore, #tpu.memory_space<semaphore_mem>> -> memref<1x!tpu.dma_semaphore, #tpu.memory_space<semaphore_mem>>
    %dma_wait3A_60 = tpu.memref_squeeze %dma_wait3A_59 : memref<1x!tpu.dma_semaphore, #tpu.memory_space<semaphore_mem>> -> memref<!tpu.dma_semaphore, #tpu.memory_space<semaphore_mem>>
    %dma_wait3A_61 = arith.constant 0 : i32
    %dma_wait3A_62 = tpu.memref_slice %arg4[%add3A_50, %dma_wait3A_61] : memref<51200x300xf32, #tpu.memory_space<hbm>> -> memref<80x300xf32, #tpu.memory_space<hbm>>
    %dma_wait3A_63 = arith.constant 0 : i32
    %dma_wait3A_64 = arith.constant 0 : i32
    %dma_wait3A_65 = tpu.memref_slice %arg8[%dma_wait3A_51, %dma_wait3A_63, %dma_wait3A_64] : memref<2x80x300xf32, #tpu.memory_space<vmem>> -> memref<1x80x300xf32, #tpu.memory_space<vmem>>
    %dma_wait3A_66 = tpu.memref_squeeze %dma_wait3A_65 : memref<1x80x300xf32, #tpu.memory_space<vmem>> -> memref<80x300xf32, #tpu.memory_space<vmem>>
    tpu.wait_dma2 semaphore(%dma_wait3A_60 : memref<!tpu.dma_semaphore, #tpu.memory_space<semaphore_mem>>) src(%dma_wait3A_66 : memref<80x300xf32, #tpu.memory_space<vmem>>) dst(%dma_wait3A_62 : memref<80x300xf32, #tpu.memory_space<hbm>>)
    return
  }
}

</mosaic_0001>

<sc_bundles>
// kernel: kernel.3.cloned.1.call-start
scs
__scs_entry_jumppad:
0x0: {  	(pc) =	sbr.rel $0x88, $3  }
0x1: {  	(tag) =	ssettag $0x0;
	lr =	simm.s32 $0x1  }
0x2: {  	[smem:$0x3F9F] =	sst lr;
	_ =	strace $0xD0000000  }
0x3: {  	_ = 	snop  }
0x4: {  	_ = 	snop  }
0x5: {  	_ = 	snop  }
0x6: {  	_ = 	snop  }
0x7: {  	_ = 	snop  }
__scs_overlays_trampoline_lowered:
0x8: {  	[smem:$0x3FAE] =	sst s0  }
0x9: {  	[smem:$0x3FAF] =	sst s1  }
0xa: {  	[smem:$0x3FB0] =	sst s2  }
0xb: {  	[smem:$0x3FB1] =	sst s3  }
0xc: {  	[smem:$0x3FB2] =	sst s4  }
0xd: {  	[smem:$0x3FB3] =	sst s5  }
0xe: {  	[smem:$0x3FB4] =	sst s6  }
0xf: {  	[smem:$0x3FB5] =	sst s7  }
0x10: {  	[smem:$0x3FB6] =	sst s8  }
0x11: {  	[smem:$0x3FB7] =	sst s9;
	s0 =	simm.s32 @!p0 $0x0  }
0x12: {  	s1 =	sld [smem:$0x3F9D];
	s0 =	simm.s32 @p0 $0x1  }
0x13: {  	[smem:$0x3FB8] =	sst s0;
	s0 =	simm.s32 @!p1 $0x0  }
0x14: {  	s2 =	sld [smem:$0x3F9C];
	s0 =	simm.s32 @p1 $0x1  }
0x15: {  	[smem:$0x3FB9] =	sst s0;
	s0 =	simm.s32 @!p2 $0x0  }
0x16: {  	s3 =	sld [smem:$0x3FDB];
	s0 =	simm.s32 @p2 $0x1  }
0x17: {  	s4 =	simm.s32 $0x1BF5;
	[smem:$0x3FBB] =	sst s0  }
0x18: {  	s0 =	sld [smem:$0x3F9E];
	_ =	swait.ge [sflag:s4], $0x0  }
0x19: {  	s7 =	sld [smem:$0x3F9F]  }
0x1a: {  	s8 =	sadd.s32 $0xFFFFE003, lr  }
0x1b: {  	s9 =	sadd.s32 $0xFFFFFEF7, lr;
	s5 =	simm.s32 $0xFFFFFFFF;
	p2 =	slt.u32 s8, $0xFFFFF086  }
0x1c: {  	p1 =	slt.u32 s9, $0xF7A;
	s5 =	simm.s32 @!p2 $0x0  }
0x1d: {  	s5 =	simm.s32 @p1 $0x1;
	p0 =	seq.s32 s7, s2  }
0x1e: {  	s7 =	smul.u32 @!p0 $0xF7A, s2;
	p2 =	seq.s32 @!p0 s5, $0x0  }
0x1f: {  	s9 =	smul.u32 $0xF7A, s1;
	s8 =	simm.s32 @!p0 $0x1BF5;
	p2 =	por !p2, p0  }
0x20: {  	[sflag:s8] =	ssyncset.s32 @!p0 $0xFFFFF086;
	s6 =	sadd.s32 @!p0 s3, s7;
	s7 =	simm.s32 @!p0 $0x108  }
0x21: {  	s3 =	sadd.s32 s3, s9;
	s6 =	sadd.s32 @!p0 $0x88, s6;
	s7 =	simm.s32 @p2 $0x1082  }
0x22: {  	[simem:s7], [sflag:s8] =	dma.local @!p0 [hbm:s6], $0xF7A  }
0x23: {  	s9 =	sor.u32 $0xD0000000, s2;
	s6 =	simm.s32 $0x108;
	_ =	swait.ge @!p0 [sflag:s8], $0x0  }
0x24: {  	s3 =	sadd.s32 $0x88, s3;
	s6 =	simm.s32 @!p1 $0x1082;
	[sflag:s4] =	ssyncset.s32 $0xFFFFF086  }
0x25: {  	[simem:s6], [sflag:s4] =	dma.local [hbm:s3], $0xF7A  }
0x26: {  	[smem:$0x3F9F] =	sst s1;
	(tag) =	ssettag s2;
	_ =	strace s9  }
0x27: {  	s1 =	sld [smem:$0x3FAF]  }
0x28: {  	s2 =	sld [smem:$0x3FB0]  }
0x29: {  	s4 =	sld [smem:$0x3FB2]  }
0x2a: {  	p0 =	seq.s32 s5, $0x0;
	s5 =	sld [smem:$0x3FB3]  }
0x2b: {  	s6 =	sld [smem:$0x3FB4]  }
0x2c: {  	s7 =	sld [smem:$0x3FB5]  }
0x2d: {  	s3 =	simm.s32 $0x108;
	s8 =	sld [smem:$0x3FB6]  }
0x2e: {  	s3 =	simm.s32 @!p0 $0x1082;
	s9 =	sld [smem:$0x3FB7]  }
0x2f: {  	lr =	sadd.s32 s0, s3;
	s0 =	sld [smem:$0x3FAE]  }
0x30: {  	s3 =	sld [smem:$0x3FB1]  }
0x31: {  	[smem:$0x3FBA] =	sst s10  }
0x32: {  	s10 =	sld [smem:$0x3FB8];
	_ =	sdelay $0x3  }
0x33: {  	p0 =	seq.s32 s10, $0x1;
	s10 =	sld [smem:$0x3FBA];
	_ =	sdelay $0x3  }
0x34: {  	[smem:$0x3FBA] =	sst s10  }
0x35: {  	s10 =	sld [smem:$0x3FB9];
	_ =	sdelay $0x3  }
0x36: {  	p1 =	seq.s32 s10, $0x1;
	s10 =	sld [smem:$0x3FBA];
	_ =	sdelay $0x3  }
0x37: {  	[smem:$0x3FBA] =	sst s10  }
0x38: {  	s10 =	sld [smem:$0x3FBB]  }
0x39: {  	_ = 	snop;
	(pc) =	sbr.ind lr, $3  }
0x3a: {  	_ = 	snop  }
0x3b: {  	_ = 	snop  }
0x3c: {  	p2 =	seq.s32 s10, $0x1;
	s10 =	sld [smem:$0x3FBA]  }
0x3d: {  	_ =	shalt  }
0x3e: {  	_ =	shalt  }
0x3f: {  	_ =	shalt  }
0x40: {  	_ =	shalt  }
0x41: {  	_ =	shalt  }
0x42: {  	_ =	shalt  }
0x43: {  	_ =	shalt  }
0x44: {  	_ =	shalt  }
0x45: {  	_ =	shalt  }
0x46: {  	_ =	shalt  }
0x47: {  	_ =	shalt  }
0x48: {  	_ =	shalt  }
0x49: {  	_ =	shalt  }
0x4a: {  	_ =	shalt  }
0x4b: {  	_ =	shalt  }
0x4c: {  	_ =	shalt  }
0x4d: {  	_ =	shalt  }
0x4e: {  	_ =	shalt  }
0x4f: {  	_ =	shalt  }
0x50: {  	_ =	shalt  }
0x51: {  	_ =	shalt  }
0x52: {  	_ =	shalt  }
0x53: {  	_ =	shalt  }
0x54: {  	_ =	shalt  }
0x55: {  	_ =	shalt  }
0x56: {  	_ =	shalt  }
0x57: {  	_ =	shalt  }
0x58: {  	_ =	shalt  }
0x59: {  	_ =	shalt  }
0x5a: {  	_ =	shalt  }
0x5b: {  	_ =	shalt  }
0x5c: {  	_ =	shalt  }
0x5d: {  	_ =	shalt  }
0x5e: {  	_ =	shalt  }
0x5f: {  	_ =	shalt  }
0x60: {  	_ =	shalt  }
0x61: {  	_ =	shalt  }
0x62: {  	_ =	shalt  }
0x63: {  	_ =	shalt  }
0x64: {  	_ =	shalt  }
0x65: {  	_ =	shalt  }
0x66: {  	_ =	shalt  }
0x67: {  	_ =	shalt  }
0x68: {  	_ =	shalt  }
0x69: {  	_ =	shalt  }
0x6a: {  	_ =	shalt  }
0x6b: {  	_ =	shalt  }
0x6c: {  	_ =	shalt  }
0x6d: {  	_ =	shalt  }
0x6e: {  	_ =	shalt  }
0x6f: {  	_ =	shalt  }
0x70: {  	_ =	shalt  }
0x71: {  	_ =	shalt  }
0x72: {  	_ =	shalt  }
0x73: {  	_ =	shalt  }
0x74: {  	_ =	shalt  }
0x75: {  	_ =	shalt  }
0x76: {  	_ =	shalt  }
0x77: {  	_ =	shalt  }
0x78: {  	_ =	shalt  }
0x79: {  	_ =	shalt  }
0x7a: {  	_ =	shalt  }
0x7b: {  	_ =	shalt  }
0x7c: {  	_ =	shalt  }
0x7d: {  	_ =	shalt  }
0x7e: {  	_ =	shalt  }
0x7f: {  	_ =	shalt  }
0x80: {  	_ =	shalt  }
0x81: {  	_ =	shalt  }
0x82: {  	_ =	shalt  }
0x83: {  	_ =	shalt  }
0x84: {  	_ =	shalt  }
0x85: {  	_ =	shalt  }
0x86: {  	_ =	shalt  }
0x87: {  	_ =	shalt  }
.Lfunc_end0:
.L_simem_size_0:
called_computation.1_lowered:
.L_overlay_start_0:
0x88: {  	s2 =	sld [smem:$0x3FD9]  }
0x89: {  	s3 =	sld [smem:$0x3FFE];
	_ =	sdelay $0x1  }
0x8a: {  	s1 =	srdreg.scid  }
0x8b: {  	s0 =	sand.u32 $0x1, s1  }
0x8c: {  	s17 =	sshll.u32 s0, $0xA;
	s2 =	sadd.s32 s3, s2  }
0x8d: {  	s2 =	sadd.s32 s2, s17  }
0x8e: {  	[smem:$0x3FC6] =	sst s2  }
0x8f: {  	_ = 	snop  }
0x90: {  	s2 =	sld [smem:$0x3FD0];
	(tm) =	ssettm $0x1  }
0x91: {  	s18 =	sld [smem:$0x3FFB];
	_ =	sdelay $0x3  }
0x92: {  	_ =	strace s18  }
0x93: {  	s3 =	sld [smem:$0x3FFC];
	_ =	sdelay $0x3  }
0x94: {  	_ =	strace s3  }
0x95: {  	s3 =	sld [smem:$0x3FFD];
	_ =	sdelay $0x3  }
0x96: {  	_ =	strace s3  }
0x97: {  	_ =	strace $0x8FFFFFFF  }
0x98: {  	s19 =	sld [smem:$0x3FDB];
	_ =	sdelay $0x1  }
0x99: {  	s4 =	simm.s32 $_scs_section_size  }
0x9a: {  	s5 =	simm.s32 $_size__tile_overlayer_lowered;
	s6 =	simm.s32 $_tile_overlayer_lowered  }
0x9b: {  	s22 =	simm.s32 $0x1BFF;
	s21 =	sshll.u32 s6, $0x1;
	s3 =	sadd.s32 s4, s19  }
0x9c: {  	s7 =	simm.s32 $0x0;
	s20 =	sshll.u32 s5, $0x1;
	s5 =	sadd.s32 s21, s3  }
0x9d: {  	[timem:s7], [sflag:s22] =	dma.local [hbm:s5], s20  }
0x9e: {  	_ =	swait.ge [sflag:s22], s20  }
0x9f: {  	s4 =	ssub.s32 $0x0, s20;
	[sflag:s22] =	ssyncset.done $0x0  }
0xa0: {  	[sflag:s22] =	ssyncadd.s32 s4;
	_ =	sdelay $0x1  }
0xa1: {  	s23 =	simm.s32 $0x1B8B  }
0xa2: {  	_ =	swait.ge [sflag:s23], $0x1  }
0xa3: {  	[sflag:s23] =	ssyncset.done $0x0  }
0xa4: {  	s25 =	simm.s32 $0x1B8E;
	s24 =	sld [smem:$0x3FFE];
	[sflag:s23] =	ssyncadd.s32 $0xFFFFFFFF  }
0xa5: {  	s26 =	simm.s32 $execute0_lowered;
	[smem:$0x3FD2] =	sst s25  }
0xa6: {  	s5 =	sshll.u32 s26, $0x1;
	_ =	strace $0x80000046;
	[dreg:$0x1] =	wrdreg $0xFFFFFFFF  }
0xa7: {  	s28 =	simm.s32 $_size_execute0_lowered;
	s3 =	sadd.s32 s3, s5;
	[dreg:$0x0] =	wrdreg $0x0  }
0xa8: {  	s5 =	sshll.u32 s28, $0x1;
	[dreg:$0x2] =	wrdreg s3  }
0xa9: {  	[dreg:$0x3] =	wrdreg s5  }
0xaa: {  	[dreg:$0x4] =	wrdreg $0xC0  }
0xab: {  	_ =	task [dreg:s7], $0x5FFFF  }
0xac: {  	[dreg:$0x1] =	wrdreg $0xFFFFFFFF  }
0xad: {  	[dreg:$0x0] =	wrdreg $0x60  }
0xae: {  	[dreg:$0x2] =	wrdreg s24  }
0xaf: {  	[dreg:$0x3] =	wrdreg s2  }
0xb0: {  	[dreg:$0x4] =	wrdreg $0x9  }
0xb1: {  	_ =	task.clear_ibuf [dreg:s7], $0x5FFFF;
	_ =	strace $0x90000046  }
0xb2: {  	s29 =	simm.s32 $0x9;
	_ =	strace $0x80000048  }
0xb3: {  	_ =	swait.ge [sflag:s29], $0x1  }
0xb4: {  	[sflag:s29] =	ssyncadd.s32 $0xFFFFFFFF  }
0xb5: {  	_ =	strace $0x90000048  }
0xb6: {  	_ =	sfence  }
0xb7: {  	s30 =	sld [smem:$0x0];
	_ =	sdelay $0x2  }
0xb8: {  	s31 =	sshll.u32 s1, $0xD;
	s1 =	sshrl.u32 s1, $0x2  }
0xb9: {  	s3 =	sand.u32 $0x4000, s31;
	s1 =	sadd.s32 s1, s30  }
0xba: {  	s0 =	sor.u32 s3, s0;
	s1 =	sshll.u32 s1, $0x11  }
0xbb: {  	s0 =	sor.u32 s1, s0  }
0xbc: {  	s0 =	sadd.s32 $0x8F2B, s0  }
0xbd: {  	[sflag:s0] =	ssyncadd.remote.s32 $0x1  }
0xbe: {  	_ =	sfence.sel $0xFFFF  }
0xbf: {  	[dreg:$0x0] =	wrdreg $0xFFFFFFFF;
	(pc) =	sbr.abs _section_cstart, $3  }
0xc0: {  	[dreg:$0x1] =	wrdreg $0xFFFFFFFF  }
0xc1: {  	_ =	task.clear_ibuf [dreg:s7], $0x2FFFF;
	_ =	strace $0x9FFFFFFF  }
0xc2: {  	(tm) =	ssettm $0x7FFFFFFF  }
0xc3: {  	_ =	shalt  }
tec
execute0_lowered:
.L_overlay_start_1:
0x0: {  	(tag) =	ssettag $0x1  }
0x1: {  	s0 =	srdreg.scid;
	s1 =	stileid.u32  }
0x2: {  	s0 =	sand.u32 $0x1, s0;
	s1 =	sshll.u32 s1, $0x1  }
0x3: {  	s2 =	rddreg [dreg:$0x0];
	s1 =	sor.u32 s0, s1;
	s0 =	ssub.s32 $0x2, s0  }
0x4: {  	s30 =	simm.s32 $0x0;
	s3 =	smul.u32 $0x640, s1;
	s4 =	sshrl.u32 s0, $0x1  }
0x5: {  	[smem:$0x7FF] =	sst s30;
	s0 =	ssub.s32 s0, s4  }
0x6: {  	_ =	strace $0x80000047;
	s31 =	sshrl.u32 s3, $0x3;
	s0 =	smax.u32 s0, $0x1  }
0x7: {  	s1 =	sadd.s32 s31, s2;
	s2 =	sadd.s32 $0x494800, s2;
	[dreg:$0x5] =	wrdreg s0  }
0x8: {  	v0 =	vlaneseq.u32;
	[dreg:$0x3] =	wrdreg s2;
	s1 =	sadd.s32 $0xA00, s1  }
0x9: {  	s9 =	simm.s32 $0x640;
	v1 =	vmul.u32 $0x14, v0;
	v2 =	vadd.s32 $0xC, v0;
	s2 =	simm.s32 $0x0;
	[dreg:$0x4] =	wrdreg s1  }
.LBB2_1:
0xa: {  	[dreg:$0x6] =	wrdreg s2  }
0xb: {  	s0 =	simm.s32 $0x0;
	s1 =	rddreg [dreg:$0x4];
	s31 =	simm.s32 $0x1  }
0xc: {  	[tilespmem:s0], [sflag:$0x1] =	stream.linear.gather [hbm4b:s1+s0], $0x640, $0x38;
	[tilespmem:$0x198C0] =	vst v63  }
0xd: {  	_ =	swait.ge [sflag:s31], $0x640  }
0xe: {  	[sflag:s31] =	ssyncset.done $0x0  }
0xf: {  	s0 =	simm.s32 $0x0;
	[sflag:s31] =	ssyncadd.s32 $0xFFFFF9C0  }
.LBB2_2:
0x10: {  	s1 =	sshll.u32 s0, $0x4  }
0x11: {  	v3 =	vld [tilespmem:s1+$0x0];
	v4 =	vmov s1  }
0x12: {  	v4 =	vmul.u32 $0x14, v4;
	_ =	sdelay $0x1  }
0x13: {  	v4 =	vbroadcast v4, $0x0;
	_ =	sdelay $0x1  }
0x14: {  	s2 =	simm.s32 $0x0;
	v3 =	vmul.u32 $0x12C, v3;
	v4 =	vadd.s32 v1, v4  }
0x15: {  	v5 =	vadd.s32 s2, v4  }
0x16: {  	v3 =	vshrl.u32 v3, $0x4  }
0x17: {  	v6 =	vadd.s32 s2, v3  }
0x18: {  	vm0 =	vlt.s32 v6, $0x1C9C37  }
0x19: {  	s1 =	simm.s32 $0x1;
	v6 =	vnsel vm0, $0x1C9C37, v6  }
.LBB2_3:
0x1a: {  	p0 =	sne.s32 s1, $0x13;
	[tilespmem:v5+s9+$0x0] =	vst.idx.msk $0xffff, v6;
	s2 =	smov.u32 s1;
	s1 =	sadd.s32 $0x1, s1  }
.Ltmp0:
0x1b: {  	v5 =	vadd.s32 s2, v4;
	(pc) =	sbr.rel @p0 .LBB2_3-.Ltmp0, $4  }
0x1c: {  	_ = 	snop  }
0x1d: {  	v6 =	vadd.s32 s2, v3  }
0x1e: {  	vm0 =	vlt.s32 v6, $0x1C9C37  }
0x1f: {  	v6 =	vnsel vm0, $0x1C9C37, v6  }
0x20: {  	s0 =	sadd.s32 $0x1, s0  }
0x21: {  	p0 =	sne.s32 s0, $0x5  }
.Ltmp1:
0x22: {  	_ = 	snop;
	(pc) =	sbr.rel @p0 .LBB2_2-.Ltmp1, $2  }
0x23: {  	_ =	sdelay $0x2  }
0x24: {  	[tilespmem:v5+s9+$0x0] =	vst.idx.msk $0xffff, v6  }
0x25: {  	s0 =	rddreg [dreg:$0x3]  }
0x26: {  	s1 =	simm.s32 $0x12C0;
	s14 =	simm.s32 $0x0;
	p0 =	por $0x0, $0x0  }
0x27: {  	[tilespmem:s1], [sflag:$0x2] =	stream.indirect.gather [hbm4b:s0+s9], $0x10, s9, s9, $0xb8;
	[tilespmem:$0x198C0] =	vst v63  }
.LBB2_6:
0x28: {  	p1 =	seq.s32 s14, $0x13  }
.Ltmp2:
0x29: {  	s15 =	sand.u32 $0x1, s14;
	(pc) =	sbr.rel @p1 .LBB2_12-.Ltmp2, $4  }
0x2a: {  	s0 =	sor.u32 $0x2, s15  }
0x2b: {  	_ =	swait.ge [sflag:s0], $0x6400  }
0x2c: {  	[sflag:s0] =	ssyncset.done $0x0  }
0x2d: {  	s16 =	sadd.s32 $0x1, s14;
	[sflag:s0] =	ssyncadd.s32 $0xFFFF9C00  }
0x2e: {  	s0 =	sxor.u32 $0x1, s15;
	s1 =	smul.u32 $0x140, s16  }
0x2f: {  	s2 =	smul.u32 $0x1900, s0;
	_ =	sdelay $0x1  }
0x30: {  	s4 =	sshra.s32 s1, $0x2;
	s31 =	sshrl.u32 s2, $0x2  }
0x31: {  	s6 =	simm.s32 $0x0;
	s7 =	simm.s32 $0x0;
	v3 =	vmov s4;
	s1 =	sadd.s32 $0x640, s31  }
.LBB2_8:
0x32: {  	_ =	sdelay $0x2  }
0x33: {  	s2 =	sshll.u32 s7, $0x4  }
0x34: {  	v4 =	vld.idx.msk [tilespmem:v3+s2+$0x0 ss:$0x1], $0xffff;
	v5 =	vmov s2  }
0x35: {  	v5 =	vmul.u32 $0x14, v5;
	_ =	sdelay $0x1  }
0x36: {  	v5 =	vbroadcast v5, $0x0;
	_ =	sdelay $0x1  }
0x37: {  	v4 =	vmul.u32 $0x12C, v4;
	v5 =	vadd.s32 v1, v5  }
0x38: {  	v6 =	vadd.s32 s6, v5  }
0x39: {  	v4 =	vshrl.u32 v4, $0x4  }
0x3a: {  	v7 =	vadd.s32 s6, v4  }
0x3b: {  	vm0 =	vlt.s32 v7, $0x1C9C37  }
0x3c: {  	s2 =	simm.s32 $0x1;
	v7 =	vnsel vm0, $0x1C9C37, v7  }
.LBB2_9:
0x3d: {  	p1 =	sne.s32 s2, $0x13;
	[tilespmem:v6+s1+$0x0] =	vst.idx.msk $0xffff, v7;
	s4 =	smov.u32 s2;
	s2 =	sadd.s32 $0x1, s2  }
.Ltmp3:
0x3e: {  	v6 =	vadd.s32 s4, v5;
	(pc) =	sbr.rel @p1 .LBB2_9-.Ltmp3, $4  }
0x3f: {  	_ = 	snop  }
0x40: {  	v7 =	vadd.s32 s4, v4  }
0x41: {  	vm0 =	vlt.s32 v7, $0x1C9C37  }
0x42: {  	v7 =	vnsel vm0, $0x1C9C37, v7  }
0x43: {  	s7 =	sadd.s32 $0x1, s7  }
0x44: {  	p1 =	sne.s32 s7, $0x5  }
.Ltmp4:
0x45: {  	_ = 	snop;
	(pc) =	sbr.rel @p1 .LBB2_8-.Ltmp4, $2  }
0x46: {  	_ =	sdelay $0x2  }
0x47: {  	[tilespmem:v6+s1+$0x0] =	vst.idx.msk $0xffff, v7  }
0x48: {  	s2 =	smul.u32 $0x19000, s0;
	p1 =	slt.u32 s14, $0x2  }
.Ltmp5:
0x49: {  	_ = 	snop;
	(pc) =	sbr.rel @p1 .LBB2_13-.Ltmp5, $4  }
0x4a: {  	_ = 	snop  }
0x4b: {  	s2 =	sshrl.u32 s2, $0x2  }
0x4c: {  	s31 =	sor.u32 $0x2, s0;
	s4 =	rddreg [dreg:$0x3];
	s2 =	sadd.s32 $0x12C0, s2  }
0x4d: {  	[tilespmem:s2], [sflag:s31] =	stream.indirect.gather [hbm4b:s4+s9], $0x10, s1, s9, $0xb8;
	[tilespmem:$0x198C0] =	vst v63  }
.LBB2_12:
0x4e: {  	s0 =	sor.u32 $0x4, s15  }
0x4f: {  	_ =	swait.ge [sflag:s0], $0x5F00  }
0x50: {  	[sflag:s0] =	ssyncset.done $0x0  }
0x51: {  	[sflag:s0] =	ssyncadd.s32 $0xFFFFA100  }
.LBB2_13:
0x52: {  	s4 =	smul.u32 $0x19000, s15  }
0x53: {  	s0 =	simm.s32 $0x1;
	s7 =	smul.u32 $0x140, s14  }
0x54: {  	s8 =	smul.u32 $0x17C00, s15;
	s0 =	simm.s32 @!p0 $0x0  }
0x55: {  	s0 =	smul.u32 $0x17C00, s0  }
0x56: {  	s11 =	sshrl.u32 s4, $0x2;
	s12 =	sshra.s32 s7, $0x2;
	s13 =	sshrl.u32 s8, $0x2  }
0x57: {  	s7 =	simm.s32 $0x0;
	s8 =	simm.s32 $0x0;
	s1 =	sshrl.u32 s0, $0x2  }
0x58: {  	s6 =	sadd.s32 $0x12C0, s11;
	s17 =	sadd.s32 $0xEC90, s1;
	s18 =	sadd.s32 $0xEB60, s1  }
0x59: {  	s19 =	sadd.s32 $0xEA30, s1;
	s20 =	sadd.s32 $0xE900, s1;
	s21 =	sadd.s32 $0xE7D0, s1  }
0x5a: {  	s22 =	sadd.s32 $0xE6A0, s1;
	s23 =	sadd.s32 $0xE570, s1;
	s24 =	sadd.s32 $0xE440, s1  }
0x5b: {  	s25 =	sadd.s32 $0xE310, s1;
	s26 =	sadd.s32 $0xE1E0, s1;
	s28 =	sadd.s32 $0xE0B0, s1  }
0x5c: {  	s29 =	sadd.s32 $0xDF80, s1;
	s30 =	sadd.s32 $0xDE50, s1;
	s31 =	sadd.s32 $0xDD20, s1  }
0x5d: {  	v3 =	vmov s12;
	s0 =	sadd.s32 $0xDBF0, s1;
	s2 =	sadd.s32 $0xDAC0, s1;
	s1 =	sadd.s32 $0xDAC0, s13  }
.LBB2_14:
0x5e: {  	_ =	sdelay $0x2  }
0x5f: {  	s11 =	sshll.u32 s8, $0x4  }
0x60: {  	v4 =	vld.idx.msk [tilespmem:v3+s11+$0x0 ss:$0x1], $0xffff;
	_ =	sdelay $0x4  }
0x61: {  	v4 =	vmul.u32 $0xC, v4;
	_ =	sdelay $0x1  }
0x62: {  	v4 =	vand.u32 $0xC, v4  }
0x63: {  	v5 =	vbroadcast v4, $0x0;
	_ =	sdelay $0x1  }
0x64: {  	s13 =	smul.u32 $0x140, s8;
	v5 =	vadd.s32 v0, v5  }
0x65: {  	v6 =	vshrl.u32 v5, $0x4  }
0x66: {  	v6 =	vor.u32 s13, v6  }
0x67: {  	v7 =	vadd.s32 s7, v6  }
0x68: {  	v5 =	vand.u32 $0xF, v5;
	v7 =	vshll.u32 v7, $0x4  }
0x69: {  	v7 =	vor.u32 v5, v7;
	_ =	sdelay $0x2  }
0x6a: {  	s4 =	simm.s32 $0x1  }
0x6b: {  	v8 =	vadd.s32 s4, v6  }
0x6c: {  	v8 =	vshll.u32 v8, $0x4;
	v7 =	vld.idx.msk [tilespmem:v7+s6+$0x0], $0xffff  }
0x6d: {  	v9 =	vor.u32 v5, v8;
	_ =	sdelay $0x1  }
0x6e: {  	s12 =	smul.u32 $0x4C00, s8;
	_ =	sdelay $0x1  }
0x6f: {  	s10 =	simm.s32 $0x2;
	s4 =	sshra.s32 s12, $0x2;
	[tilespmem:s2+$0x0] =	vst v7  }
0x70: {  	s12 =	sadd.s32 s4, s1;
	s4 =	simm.s32 $0x3;
	v8 =	vadd.s32 s10, v6;
	s10 =	smov.u32 s2;
	v7 =	vld.idx.msk [tilespmem:v9+s6+$0x0], $0xffff  }
.LBB2_15:
0x71: {  	p1 =	sne.s32 s4, $0x11;
	v8 =	vshll.u32 v8, $0x4  }
0x72: {  	v9 =	vor.u32 v5, v8  }
.Ltmp6:
0x73: {  	(pc) =	sbr.rel @p1 .LBB2_15-.Ltmp6, $4  }
0x74: {  	_ = 	snop  }
0x75: {  	s10 =	sadd.s32 $0x10, s10  }
0x76: {  	[tilespmem:s10+$0x0] =	vst v7  }
0x77: {  	v8 =	vadd.s32 s4, v6;
	s4 =	sadd.s32 $0x1, s4;
	v7 =	vld.idx.msk [tilespmem:v9+s6+$0x0], $0xffff  }
0x78: {  	v6 =	vshll.u32 v8, $0x4  }
0x79: {  	s4 =	sor.u32 $0x11, s13;
	v5 =	vor.u32 v5, v6  }
0x7a: {  	v6 =	vmov s4  }
0x7b: {  	v6 =	vshll.u32 v6, $0x4  }
0x7c: {  	s5 =	sadd.s32 $0x10, s10;
	v6 =	vor.u32 v6, v4  }
0x7d: {  	[tilespmem:s5+$0x0] =	vst v7;
	v6 =	vbroadcast v6, $0x0  }
0x7e: {  	v7 =	vld.idx.msk [tilespmem:v5+s6+$0x0], $0xffff;
	v5 =	vbroadcast v4, $0x1  }
0x7f: {  	s10 =	sor.u32 $0x1, s11;
	v8 =	vadd.s32 v2, v6  }
0x80: {  	s13 =	smul.u32 $0x14, s10;
	v9 =	vadd.s32 v0, v5  }
0x81: {  	v6 =	vshrl.u32 v9, $0x4  }
0x82: {  	s4 =	sadd.s32 $0x10, s5;
	s5 =	simm.s32 $0x0;
	v6 =	vor.u32 s13, v6  }
0x83: {  	[tilespmem:s4+$0x0] =	vst v7;
	v10 =	vadd.s32 s5, v6  }
0x84: {  	v7 =	vand.u32 $0xF, v9;
	v8 =	vld.idx.msk [tilespmem:v8+s6+$0x0], $0xffff;
	v9 =	vshll.u32 v10, $0x4  }
0x85: {  	v9 =	vor.u32 v7, v9;
	_ =	sdelay $0x2  }
0x86: {  	s5 =	simm.s32 $0x1  }
0x87: {  	[tilespmem:s12+$0x11C] =	vst v8;
	v8 =	vadd.s32 s5, v6  }
0x88: {  	v9 =	vld.idx.msk [tilespmem:v9+s6+$0x0], $0xffff;
	v8 =	vshll.u32 v8, $0x4  }
0x89: {  	v8 =	vor.u32 v7, v8;
	_ =	sdelay $0x1  }
0x8a: {  	s5 =	smul.u32 $0x4C0, s10;
	_ =	sdelay $0x1  }
0x8b: {  	s10 =	simm.s32 $0x2;
	s4 =	sshra.s32 s5, $0x2;
	[tilespmem:s0+$0x0] =	vst v9  }
0x8c: {  	s12 =	sadd.s32 s4, s1;
	s4 =	simm.s32 $0x3;
	v9 =	vadd.s32 s10, v6;
	s10 =	smov.u32 s0;
	v8 =	vld.idx.msk [tilespmem:v8+s6+$0x0], $0xffff  }
.LBB2_17:
0x8d: {  	p1 =	sne.s32 s4, $0x11;
	v9 =	vshll.u32 v9, $0x4  }
0x8e: {  	v10 =	vor.u32 v7, v9  }
.Ltmp7:
0x8f: {  	(pc) =	sbr.rel @p1 .LBB2_17-.Ltmp7, $4  }
0x90: {  	_ = 	snop  }
0x91: {  	s10 =	sadd.s32 $0x10, s10  }
0x92: {  	[tilespmem:s10+$0x0] =	vst v8  }
0x93: {  	v9 =	vadd.s32 s4, v6;
	s4 =	sadd.s32 $0x1, s4;
	v8 =	vld.idx.msk [tilespmem:v10+s6+$0x0], $0xffff  }
0x94: {  	v6 =	vshll.u32 v9, $0x4  }
0x95: {  	s4 =	sadd.s32 $0x11, s13;
	v6 =	vor.u32 v7, v6  }
0x96: {  	v7 =	vmov s4  }
0x97: {  	v7 =	vshll.u32 v7, $0x4  }
0x98: {  	s10 =	sadd.s32 $0x10, s10;
	v7 =	vbroadcast v7, $0x0  }
0x99: {  	[tilespmem:s10+$0x0] =	vst v8  }
0x9a: {  	v8 =	vld.idx.msk [tilespmem:v6+s6+$0x0], $0xffff;
	v6 =	vadd.s32 v5, v7;
	v5 =	vbroadcast v4, $0x2  }
0x9b: {  	s5 =	sor.u32 $0x2, s11;
	v7 =	vadd.s32 v2, v6  }
0x9c: {  	s13 =	smul.u32 $0x14, s5;
	v9 =	vadd.s32 v0, v5  }
0x9d: {  	v6 =	vshrl.u32 v9, $0x4  }
0x9e: {  	s4 =	sadd.s32 $0x10, s10;
	s10 =	simm.s32 $0x0;
	v6 =	vor.u32 s13, v6  }
0x9f: {  	[tilespmem:s4+$0x0] =	vst v8;
	v8 =	vadd.s32 s10, v6  }
0xa0: {  	v10 =	vld.idx.msk [tilespmem:v7+s6+$0x0], $0xffff;
	v7 =	vand.u32 $0xF, v9;
	v8 =	vshll.u32 v8, $0x4  }
0xa1: {  	v8 =	vor.u32 v7, v8;
	_ =	sdelay $0x2  }
0xa2: {  	s10 =	simm.s32 $0x1  }
0xa3: {  	v9 =	vadd.s32 s10, v6;
	[tilespmem:s12+$0x11C] =	vst v10  }
0xa4: {  	v9 =	vshll.u32 v9, $0x4;
	v8 =	vld.idx.msk [tilespmem:v8+s6+$0x0], $0xffff  }
0xa5: {  	v10 =	vor.u32 v7, v9;
	_ =	sdelay $0x1  }
0xa6: {  	s5 =	smul.u32 $0x4C0, s5;
	_ =	sdelay $0x1  }
0xa7: {  	s4 =	sshra.s32 s5, $0x2;
	s10 =	simm.s32 $0x2;
	[tilespmem:s31+$0x0] =	vst v8  }
0xa8: {  	s12 =	sadd.s32 s4, s1;
	v9 =	vadd.s32 s10, v6;
	s4 =	simm.s32 $0x3;
	s10 =	smov.u32 s31;
	v8 =	vld.idx.msk [tilespmem:v10+s6+$0x0], $0xffff  }
.LBB2_19:
0xa9: {  	p1 =	sne.s32 s4, $0x11;
	v9 =	vshll.u32 v9, $0x4  }
0xaa: {  	v10 =	vor.u32 v7, v9  }
.Ltmp8:
0xab: {  	(pc) =	sbr.rel @p1 .LBB2_19-.Ltmp8, $4  }
0xac: {  	_ = 	snop  }
0xad: {  	s10 =	sadd.s32 $0x10, s10  }
0xae: {  	[tilespmem:s10+$0x0] =	vst v8  }
0xaf: {  	v9 =	vadd.s32 s4, v6;
	s4 =	sadd.s32 $0x1, s4;
	v8 =	vld.idx.msk [tilespmem:v10+s6+$0x0], $0xffff  }
0xb0: {  	v6 =	vshll.u32 v9, $0x4  }
0xb1: {  	s4 =	sor.u32 $0x11, s13;
	v6 =	vor.u32 v7, v6  }
0xb2: {  	v7 =	vmov s4  }
0xb3: {  	v7 =	vshll.u32 v7, $0x4  }
0xb4: {  	s10 =	sadd.s32 $0x10, s10;
	v7 =	vbroadcast v7, $0x0  }
0xb5: {  	[tilespmem:s10+$0x0] =	vst v8  }
0xb6: {  	v8 =	vld.idx.msk [tilespmem:v6+s6+$0x0], $0xffff;
	v6 =	vadd.s32 v5, v7;
	v5 =	vbroadcast v4, $0x3  }
0xb7: {  	s5 =	sor.u32 $0x3, s11;
	v7 =	vadd.s32 v2, v6  }
0xb8: {  	s13 =	smul.u32 $0x14, s5;
	v9 =	vadd.s32 v0, v5  }
0xb9: {  	v6 =	vshrl.u32 v9, $0x4  }
0xba: {  	s4 =	sadd.s32 $0x10, s10;
	s10 =	simm.s32 $0x0;
	v6 =	vor.u32 s13, v6  }
0xbb: {  	[tilespmem:s4+$0x0] =	vst v8;
	v8 =	vadd.s32 s10, v6  }
0xbc: {  	v10 =	vld.idx.msk [tilespmem:v7+s6+$0x0], $0xffff;
	v7 =	vand.u32 $0xF, v9;
	v8 =	vshll.u32 v8, $0x4  }
0xbd: {  	v8 =	vor.u32 v7, v8;
	_ =	sdelay $0x2  }
0xbe: {  	s10 =	simm.s32 $0x1  }
0xbf: {  	v9 =	vadd.s32 s10, v6;
	[tilespmem:s12+$0x11C] =	vst v10  }
0xc0: {  	v9 =	vshll.u32 v9, $0x4;
	v8 =	vld.idx.msk [tilespmem:v8+s6+$0x0], $0xffff  }
0xc1: {  	v10 =	vor.u32 v7, v9;
	_ =	sdelay $0x1  }
0xc2: {  	s5 =	smul.u32 $0x4C0, s5;
	_ =	sdelay $0x1  }
0xc3: {  	s4 =	sshra.s32 s5, $0x2;
	s10 =	simm.s32 $0x2;
	[tilespmem:s30+$0x0] =	vst v8  }
0xc4: {  	s12 =	sadd.s32 s4, s1;
	v9 =	vadd.s32 s10, v6;
	s4 =	simm.s32 $0x3;
	s10 =	smov.u32 s30;
	v8 =	vld.idx.msk [tilespmem:v10+s6+$0x0], $0xffff  }
.LBB2_21:
0xc5: {  	p1 =	sne.s32 s4, $0x11;
	v9 =	vshll.u32 v9, $0x4  }
0xc6: {  	v10 =	vor.u32 v7, v9  }
.Ltmp9:
0xc7: {  	(pc) =	sbr.rel @p1 .LBB2_21-.Ltmp9, $4  }
0xc8: {  	_ = 	snop  }
0xc9: {  	s10 =	sadd.s32 $0x10, s10  }
0xca: {  	[tilespmem:s10+$0x0] =	vst v8  }
0xcb: {  	v9 =	vadd.s32 s4, v6;
	s4 =	sadd.s32 $0x1, s4;
	v8 =	vld.idx.msk [tilespmem:v10+s6+$0x0], $0xffff  }
0xcc: {  	v6 =	vshll.u32 v9, $0x4  }
0xcd: {  	s4 =	sadd.s32 $0x11, s13;
	v6 =	vor.u32 v7, v6  }
0xce: {  	v7 =	vmov s4  }
0xcf: {  	v7 =	vshll.u32 v7, $0x4  }
0xd0: {  	s10 =	sadd.s32 $0x10, s10;
	v7 =	vbroadcast v7, $0x0  }
0xd1: {  	[tilespmem:s10+$0x0] =	vst v8  }
0xd2: {  	v8 =	vld.idx.msk [tilespmem:v6+s6+$0x0], $0xffff;
	v6 =	vadd.s32 v5, v7;
	v5 =	vbroadcast v4, $0x4  }
0xd3: {  	s5 =	sor.u32 $0x4, s11;
	v7 =	vadd.s32 v2, v6  }
0xd4: {  	s13 =	smul.u32 $0x14, s5;
	v9 =	vadd.s32 v0, v5  }
0xd5: {  	v6 =	vshrl.u32 v9, $0x4  }
0xd6: {  	s4 =	sadd.s32 $0x10, s10;
	s10 =	simm.s32 $0x0;
	v6 =	vor.u32 s13, v6  }
0xd7: {  	[tilespmem:s4+$0x0] =	vst v8;
	v8 =	vadd.s32 s10, v6  }
0xd8: {  	v10 =	vld.idx.msk [tilespmem:v7+s6+$0x0], $0xffff;
	v7 =	vand.u32 $0xF, v9;
	v8 =	vshll.u32 v8, $0x4  }
0xd9: {  	v8 =	vor.u32 v7, v8;
	_ =	sdelay $0x2  }
0xda: {  	s10 =	simm.s32 $0x1  }
0xdb: {  	v9 =	vadd.s32 s10, v6;
	[tilespmem:s12+$0x11C] =	vst v10  }
0xdc: {  	v9 =	vshll.u32 v9, $0x4;
	v8 =	vld.idx.msk [tilespmem:v8+s6+$0x0], $0xffff  }
0xdd: {  	v10 =	vor.u32 v7, v9;
	_ =	sdelay $0x1  }
0xde: {  	s5 =	smul.u32 $0x4C0, s5;
	_ =	sdelay $0x1  }
0xdf: {  	s4 =	sshra.s32 s5, $0x2;
	s10 =	simm.s32 $0x2;
	[tilespmem:s29+$0x0] =	vst v8  }
0xe0: {  	s12 =	sadd.s32 s4, s1;
	v9 =	vadd.s32 s10, v6;
	s4 =	simm.s32 $0x3;
	s10 =	smov.u32 s29;
	v8 =	vld.idx.msk [tilespmem:v10+s6+$0x0], $0xffff  }
.LBB2_23:
0xe1: {  	p1 =	sne.s32 s4, $0x11;
	v9 =	vshll.u32 v9, $0x4  }
0xe2: {  	v10 =	vor.u32 v7, v9  }
.Ltmp10:
0xe3: {  	(pc) =	sbr.rel @p1 .LBB2_23-.Ltmp10, $4  }
0xe4: {  	_ = 	snop  }
0xe5: {  	s10 =	sadd.s32 $0x10, s10  }
0xe6: {  	[tilespmem:s10+$0x0] =	vst v8  }
0xe7: {  	v9 =	vadd.s32 s4, v6;
	s4 =	sadd.s32 $0x1, s4;
	v8 =	vld.idx.msk [tilespmem:v10+s6+$0x0], $0xffff  }
0xe8: {  	v6 =	vshll.u32 v9, $0x4  }
0xe9: {  	s4 =	sadd.s32 $0x11, s13;
	v6 =	vor.u32 v7, v6  }
0xea: {  	v7 =	vmov s4  }
0xeb: {  	v7 =	vshll.u32 v7, $0x4  }
0xec: {  	s10 =	sadd.s32 $0x10, s10;
	v7 =	vbroadcast v7, $0x0  }
0xed: {  	[tilespmem:s10+$0x0] =	vst v8  }
0xee: {  	v8 =	vld.idx.msk [tilespmem:v6+s6+$0x0], $0xffff;
	v6 =	vadd.s32 v5, v7;
	v5 =	vbroadcast v4, $0x5  }
0xef: {  	s5 =	sor.u32 $0x5, s11;
	v7 =	vadd.s32 v2, v6  }
0xf0: {  	s13 =	smul.u32 $0x14, s5;
	v9 =	vadd.s32 v0, v5  }
0xf1: {  	v6 =	vshrl.u32 v9, $0x4  }
0xf2: {  	s4 =	sadd.s32 $0x10, s10;
	s10 =	simm.s32 $0x0;
	v6 =	vor.u32 s13, v6  }
0xf3: {  	[tilespmem:s4+$0x0] =	vst v8;
	v8 =	vadd.s32 s10, v6  }
0xf4: {  	v10 =	vld.idx.msk [tilespmem:v7+s6+$0x0], $0xffff;
	v7 =	vand.u32 $0xF, v9;
	v8 =	vshll.u32 v8, $0x4  }
0xf5: {  	v8 =	vor.u32 v7, v8;
	_ =	sdelay $0x2  }
0xf6: {  	s10 =	simm.s32 $0x1  }
0xf7: {  	v9 =	vadd.s32 s10, v6;
	[tilespmem:s12+$0x11C] =	vst v10  }
0xf8: {  	v9 =	vshll.u32 v9, $0x4;
	v8 =	vld.idx.msk [tilespmem:v8+s6+$0x0], $0xffff  }
0xf9: {  	v10 =	vor.u32 v7, v9;
	_ =	sdelay $0x1  }
0xfa: {  	s5 =	smul.u32 $0x4C0, s5;
	_ =	sdelay $0x1  }
0xfb: {  	s4 =	sshra.s32 s5, $0x2;
	s10 =	simm.s32 $0x2;
	[tilespmem:s28+$0x0] =	vst v8  }
0xfc: {  	s12 =	sadd.s32 s4, s1;
	v9 =	vadd.s32 s10, v6;
	s4 =	simm.s32 $0x3;
	s10 =	smov.u32 s28;
	v8 =	vld.idx.msk [tilespmem:v10+s6+$0x0], $0xffff  }
.LBB2_25:
0xfd: {  	p1 =	sne.s32 s4, $0x11;
	v9 =	vshll.u32 v9, $0x4  }
0xfe: {  	v10 =	vor.u32 v7, v9  }
.Ltmp11:
0xff: {  	(pc) =	sbr.rel @p1 .LBB2_25-.Ltmp11, $4  }
0x100: {  	_ = 	snop  }
0x101: {  	s10 =	sadd.s32 $0x10, s10  }
0x102: {  	[tilespmem:s10+$0x0] =	vst v8  }
0x103: {  	v9 =	vadd.s32 s4, v6;
	s4 =	sadd.s32 $0x1, s4;
	v8 =	vld.idx.msk [tilespmem:v10+s6+$0x0], $0xffff  }
0x104: {  	v6 =	vshll.u32 v9, $0x4  }
0x105: {  	s4 =	sor.u32 $0x11, s13;
	v6 =	vor.u32 v7, v6  }
0x106: {  	v7 =	vmov s4  }
0x107: {  	v7 =	vshll.u32 v7, $0x4  }
0x108: {  	s10 =	sadd.s32 $0x10, s10;
	v7 =	vbroadcast v7, $0x0  }
0x109: {  	[tilespmem:s10+$0x0] =	vst v8  }
0x10a: {  	v8 =	vld.idx.msk [tilespmem:v6+s6+$0x0], $0xffff;
	v6 =	vadd.s32 v5, v7;
	v5 =	vbroadcast v4, $0x6  }
0x10b: {  	s5 =	sor.u32 $0x6, s11;
	v7 =	vadd.s32 v2, v6  }
0x10c: {  	s13 =	smul.u32 $0x14, s5;
	v9 =	vadd.s32 v0, v5  }
0x10d: {  	v6 =	vshrl.u32 v9, $0x4  }
0x10e: {  	s4 =	sadd.s32 $0x10, s10;
	s10 =	simm.s32 $0x0;
	v6 =	vor.u32 s13, v6  }
0x10f: {  	[tilespmem:s4+$0x0] =	vst v8;
	v8 =	vadd.s32 s10, v6  }
0x110: {  	v10 =	vld.idx.msk [tilespmem:v7+s6+$0x0], $0xffff;
	v7 =	vand.u32 $0xF, v9;
	v8 =	vshll.u32 v8, $0x4  }
0x111: {  	v8 =	vor.u32 v7, v8;
	_ =	sdelay $0x2  }
0x112: {  	s10 =	simm.s32 $0x1  }
0x113: {  	v9 =	vadd.s32 s10, v6;
	[tilespmem:s12+$0x11C] =	vst v10  }
0x114: {  	v9 =	vshll.u32 v9, $0x4;
	v8 =	vld.idx.msk [tilespmem:v8+s6+$0x0], $0xffff  }
0x115: {  	v10 =	vor.u32 v7, v9;
	_ =	sdelay $0x1  }
0x116: {  	s5 =	smul.u32 $0x4C0, s5;
	_ =	sdelay $0x1  }
0x117: {  	s4 =	sshra.s32 s5, $0x2;
	s10 =	simm.s32 $0x2;
	[tilespmem:s26+$0x0] =	vst v8  }
0x118: {  	s12 =	sadd.s32 s4, s1;
	v9 =	vadd.s32 s10, v6;
	s4 =	simm.s32 $0x3;
	s10 =	smov.u32 s26;
	v8 =	vld.idx.msk [tilespmem:v10+s6+$0x0], $0xffff  }
.LBB2_27:
0x119: {  	p1 =	sne.s32 s4, $0x11;
	v9 =	vshll.u32 v9, $0x4  }
0x11a: {  	v10 =	vor.u32 v7, v9  }
.Ltmp12:
0x11b: {  	(pc) =	sbr.rel @p1 .LBB2_27-.Ltmp12, $4  }
0x11c: {  	_ = 	snop  }
0x11d: {  	s10 =	sadd.s32 $0x10, s10  }
0x11e: {  	[tilespmem:s10+$0x0] =	vst v8  }
0x11f: {  	v9 =	vadd.s32 s4, v6;
	s4 =	sadd.s32 $0x1, s4;
	v8 =	vld.idx.msk [tilespmem:v10+s6+$0x0], $0xffff  }
0x120: {  	v6 =	vshll.u32 v9, $0x4  }
0x121: {  	s4 =	sadd.s32 $0x11, s13;
	v6 =	vor.u32 v7, v6  }
0x122: {  	v7 =	vmov s4  }
0x123: {  	v7 =	vshll.u32 v7, $0x4  }
0x124: {  	s10 =	sadd.s32 $0x10, s10;
	v7 =	vbroadcast v7, $0x0  }
0x125: {  	[tilespmem:s10+$0x0] =	vst v8  }
0x126: {  	v8 =	vld.idx.msk [tilespmem:v6+s6+$0x0], $0xffff;
	v6 =	vadd.s32 v5, v7;
	v5 =	vbroadcast v4, $0x7  }
0x127: {  	s5 =	sor.u32 $0x7, s11;
	v7 =	vadd.s32 v2, v6  }
0x128: {  	s13 =	smul.u32 $0x14, s5;
	v9 =	vadd.s32 v0, v5  }
0x129: {  	v6 =	vshrl.u32 v9, $0x4  }
0x12a: {  	s4 =	sadd.s32 $0x10, s10;
	s10 =	simm.s32 $0x0;
	v6 =	vor.u32 s13, v6  }
0x12b: {  	[tilespmem:s4+$0x0] =	vst v8;
	v8 =	vadd.s32 s10, v6  }
0x12c: {  	v10 =	vld.idx.msk [tilespmem:v7+s6+$0x0], $0xffff;
	v7 =	vand.u32 $0xF, v9;
	v8 =	vshll.u32 v8, $0x4  }
0x12d: {  	v8 =	vor.u32 v7, v8;
	_ =	sdelay $0x2  }
0x12e: {  	s10 =	simm.s32 $0x1  }
0x12f: {  	v9 =	vadd.s32 s10, v6;
	[tilespmem:s12+$0x11C] =	vst v10  }
0x130: {  	v9 =	vshll.u32 v9, $0x4;
	v8 =	vld.idx.msk [tilespmem:v8+s6+$0x0], $0xffff  }
0x131: {  	v10 =	vor.u32 v7, v9;
	_ =	sdelay $0x1  }
0x132: {  	s5 =	smul.u32 $0x4C0, s5;
	_ =	sdelay $0x1  }
0x133: {  	s4 =	sshra.s32 s5, $0x2;
	s10 =	simm.s32 $0x2;
	[tilespmem:s25+$0x0] =	vst v8  }
0x134: {  	s12 =	sadd.s32 s4, s1;
	v9 =	vadd.s32 s10, v6;
	s4 =	simm.s32 $0x3;
	s10 =	smov.u32 s25;
	v8 =	vld.idx.msk [tilespmem:v10+s6+$0x0], $0xffff  }
.LBB2_29:
0x135: {  	p1 =	sne.s32 s4, $0x11;
	v9 =	vshll.u32 v9, $0x4  }
0x136: {  	v10 =	vor.u32 v7, v9  }
.Ltmp13:
0x137: {  	(pc) =	sbr.rel @p1 .LBB2_29-.Ltmp13, $4  }
0x138: {  	_ = 	snop  }
0x139: {  	s10 =	sadd.s32 $0x10, s10  }
0x13a: {  	[tilespmem:s10+$0x0] =	vst v8  }
0x13b: {  	v9 =	vadd.s32 s4, v6;
	s4 =	sadd.s32 $0x1, s4;
	v8 =	vld.idx.msk [tilespmem:v10+s6+$0x0], $0xffff  }
0x13c: {  	v6 =	vshll.u32 v9, $0x4  }
0x13d: {  	s4 =	sor.u32 $0x11, s13;
	v6 =	vor.u32 v7, v6  }
0x13e: {  	v7 =	vmov s4  }
0x13f: {  	v7 =	vshll.u32 v7, $0x4  }
0x140: {  	s10 =	sadd.s32 $0x10, s10;
	v7 =	vbroadcast v7, $0x0  }
0x141: {  	[tilespmem:s10+$0x0] =	vst v8  }
0x142: {  	v8 =	vld.idx.msk [tilespmem:v6+s6+$0x0], $0xffff;
	v6 =	vadd.s32 v5, v7;
	v5 =	vbroadcast v4, $0x8  }
0x143: {  	s5 =	sor.u32 $0x8, s11;
	v7 =	vadd.s32 v2, v6  }
0x144: {  	s13 =	smul.u32 $0x14, s5;
	v9 =	vadd.s32 v0, v5  }
0x145: {  	v6 =	vshrl.u32 v9, $0x4  }
0x146: {  	s4 =	sadd.s32 $0x10, s10;
	s10 =	simm.s32 $0x0;
	v6 =	vor.u32 s13, v6  }
0x147: {  	[tilespmem:s4+$0x0] =	vst v8;
	v8 =	vadd.s32 s10, v6  }
0x148: {  	v10 =	vld.idx.msk [tilespmem:v7+s6+$0x0], $0xffff;
	v7 =	vand.u32 $0xF, v9;
	v8 =	vshll.u32 v8, $0x4  }
0x149: {  	v8 =	vor.u32 v7, v8;
	_ =	sdelay $0x2  }
0x14a: {  	s10 =	simm.s32 $0x1  }
0x14b: {  	v9 =	vadd.s32 s10, v6;
	[tilespmem:s12+$0x11C] =	vst v10  }
0x14c: {  	v9 =	vshll.u32 v9, $0x4;
	v8 =	vld.idx.msk [tilespmem:v8+s6+$0x0], $0xffff  }
0x14d: {  	v10 =	vor.u32 v7, v9;
	_ =	sdelay $0x1  }
0x14e: {  	s5 =	smul.u32 $0x4C0, s5;
	_ =	sdelay $0x1  }
0x14f: {  	s4 =	sshra.s32 s5, $0x2;
	s10 =	simm.s32 $0x2;
	[tilespmem:s24+$0x0] =	vst v8  }
0x150: {  	s12 =	sadd.s32 s4, s1;
	v9 =	vadd.s32 s10, v6;
	s4 =	simm.s32 $0x3;
	s10 =	smov.u32 s24;
	v8 =	vld.idx.msk [tilespmem:v10+s6+$0x0], $0xffff  }
.LBB2_31:
0x151: {  	p1 =	sne.s32 s4, $0x11;
	v9 =	vshll.u32 v9, $0x4  }
0x152: {  	v10 =	vor.u32 v7, v9  }
.Ltmp14:
0x153: {  	(pc) =	sbr.rel @p1 .LBB2_31-.Ltmp14, $4  }
0x154: {  	_ = 	snop  }
0x155: {  	s10 =	sadd.s32 $0x10, s10  }
0x156: {  	[tilespmem:s10+$0x0] =	vst v8  }
0x157: {  	v9 =	vadd.s32 s4, v6;
	s4 =	sadd.s32 $0x1, s4;
	v8 =	vld.idx.msk [tilespmem:v10+s6+$0x0], $0xffff  }
0x158: {  	v6 =	vshll.u32 v9, $0x4  }
0x159: {  	s4 =	sor.u32 $0x11, s13;
	v6 =	vor.u32 v7, v6  }
0x15a: {  	v7 =	vmov s4  }
0x15b: {  	v7 =	vshll.u32 v7, $0x4  }
0x15c: {  	s10 =	sadd.s32 $0x10, s10;
	v7 =	vbroadcast v7, $0x0  }
0x15d: {  	[tilespmem:s10+$0x0] =	vst v8  }
0x15e: {  	v8 =	vld.idx.msk [tilespmem:v6+s6+$0x0], $0xffff;
	v6 =	vadd.s32 v5, v7;
	v5 =	vbroadcast v4, $0x9  }
0x15f: {  	s5 =	sor.u32 $0x9, s11;
	v7 =	vadd.s32 v2, v6  }
0x160: {  	s13 =	smul.u32 $0x14, s5;
	v9 =	vadd.s32 v0, v5  }
0x161: {  	v6 =	vshrl.u32 v9, $0x4  }
0x162: {  	s4 =	sadd.s32 $0x10, s10;
	s10 =	simm.s32 $0x0;
	v6 =	vor.u32 s13, v6  }
0x163: {  	[tilespmem:s4+$0x0] =	vst v8;
	v8 =	vadd.s32 s10, v6  }
0x164: {  	v10 =	vld.idx.msk [tilespmem:v7+s6+$0x0], $0xffff;
	v7 =	vand.u32 $0xF, v9;
	v8 =	vshll.u32 v8, $0x4  }
0x165: {  	v8 =	vor.u32 v7, v8;
	_ =	sdelay $0x2  }
0x166: {  	s10 =	simm.s32 $0x1  }
0x167: {  	v9 =	vadd.s32 s10, v6;
	[tilespmem:s12+$0x11C] =	vst v10  }
0x168: {  	v9 =	vshll.u32 v9, $0x4;
	v8 =	vld.idx.msk [tilespmem:v8+s6+$0x0], $0xffff  }
0x169: {  	v10 =	vor.u32 v7, v9;
	_ =	sdelay $0x1  }
0x16a: {  	s5 =	smul.u32 $0x4C0, s5;
	_ =	sdelay $0x1  }
0x16b: {  	s4 =	sshra.s32 s5, $0x2;
	s10 =	simm.s32 $0x2;
	[tilespmem:s23+$0x0] =	vst v8  }
0x16c: {  	s12 =	sadd.s32 s4, s1;
	v9 =	vadd.s32 s10, v6;
	s4 =	simm.s32 $0x3;
	s10 =	smov.u32 s23;
	v8 =	vld.idx.msk [tilespmem:v10+s6+$0x0], $0xffff  }
.LBB2_33:
0x16d: {  	p1 =	sne.s32 s4, $0x11;
	v9 =	vshll.u32 v9, $0x4  }
0x16e: {  	v10 =	vor.u32 v7, v9  }
.Ltmp15:
0x16f: {  	(pc) =	sbr.rel @p1 .LBB2_33-.Ltmp15, $4  }
0x170: {  	_ = 	snop  }
0x171: {  	s10 =	sadd.s32 $0x10, s10  }
0x172: {  	[tilespmem:s10+$0x0] =	vst v8  }
0x173: {  	v9 =	vadd.s32 s4, v6;
	s4 =	sadd.s32 $0x1, s4;
	v8 =	vld.idx.msk [tilespmem:v10+s6+$0x0], $0xffff  }
0x174: {  	v6 =	vshll.u32 v9, $0x4  }
0x175: {  	s4 =	sadd.s32 $0x11, s13;
	v6 =	vor.u32 v7, v6  }
0x176: {  	v7 =	vmov s4  }
0x177: {  	v7 =	vshll.u32 v7, $0x4  }
0x178: {  	s10 =	sadd.s32 $0x10, s10;
	v7 =	vbroadcast v7, $0x0  }
0x179: {  	[tilespmem:s10+$0x0] =	vst v8  }
0x17a: {  	v8 =	vld.idx.msk [tilespmem:v6+s6+$0x0], $0xffff;
	v6 =	vadd.s32 v5, v7;
	v5 =	vbroadcast v4, $0xA  }
0x17b: {  	s5 =	sor.u32 $0xA, s11;
	v7 =	vadd.s32 v2, v6  }
0x17c: {  	s13 =	smul.u32 $0x14, s5;
	v9 =	vadd.s32 v0, v5  }
0x17d: {  	v6 =	vshrl.u32 v9, $0x4  }
0x17e: {  	s4 =	sadd.s32 $0x10, s10;
	s10 =	simm.s32 $0x0;
	v6 =	vor.u32 s13, v6  }
0x17f: {  	[tilespmem:s4+$0x0] =	vst v8;
	v8 =	vadd.s32 s10, v6  }
0x180: {  	v10 =	vld.idx.msk [tilespmem:v7+s6+$0x0], $0xffff;
	v7 =	vand.u32 $0xF, v9;
	v8 =	vshll.u32 v8, $0x4  }
0x181: {  	v8 =	vor.u32 v7, v8;
	_ =	sdelay $0x2  }
0x182: {  	s10 =	simm.s32 $0x1  }
0x183: {  	v9 =	vadd.s32 s10, v6;
	[tilespmem:s12+$0x11C] =	vst v10  }
0x184: {  	v9 =	vshll.u32 v9, $0x4;
	v8 =	vld.idx.msk [tilespmem:v8+s6+$0x0], $0xffff  }
0x185: {  	v10 =	vor.u32 v7, v9;
	_ =	sdelay $0x1  }
0x186: {  	s5 =	smul.u32 $0x4C0, s5;
	_ =	sdelay $0x1  }
0x187: {  	s4 =	sshra.s32 s5, $0x2;
	s10 =	simm.s32 $0x2;
	[tilespmem:s22+$0x0] =	vst v8  }
0x188: {  	s12 =	sadd.s32 s4, s1;
	v9 =	vadd.s32 s10, v6;
	s4 =	simm.s32 $0x3;
	s10 =	smov.u32 s22;
	v8 =	vld.idx.msk [tilespmem:v10+s6+$0x0], $0xffff  }
.LBB2_35:
0x189: {  	p1 =	sne.s32 s4, $0x11;
	v9 =	vshll.u32 v9, $0x4  }
0x18a: {  	v10 =	vor.u32 v7, v9  }
.Ltmp16:
0x18b: {  	(pc) =	sbr.rel @p1 .LBB2_35-.Ltmp16, $4  }
0x18c: {  	_ = 	snop  }
0x18d: {  	s10 =	sadd.s32 $0x10, s10  }
0x18e: {  	[tilespmem:s10+$0x0] =	vst v8  }
0x18f: {  	v9 =	vadd.s32 s4, v6;
	s4 =	sadd.s32 $0x1, s4;
	v8 =	vld.idx.msk [tilespmem:v10+s6+$0x0], $0xffff  }
0x190: {  	v6 =	vshll.u32 v9, $0x4  }
0x191: {  	s4 =	sor.u32 $0x11, s13;
	v6 =	vor.u32 v7, v6  }
0x192: {  	v7 =	vmov s4  }
0x193: {  	v7 =	vshll.u32 v7, $0x4  }
0x194: {  	s10 =	sadd.s32 $0x10, s10;
	v7 =	vbroadcast v7, $0x0  }
0x195: {  	[tilespmem:s10+$0x0] =	vst v8  }
0x196: {  	v8 =	vld.idx.msk [tilespmem:v6+s6+$0x0], $0xffff;
	v6 =	vadd.s32 v5, v7;
	v5 =	vbroadcast v4, $0xB  }
0x197: {  	s5 =	sor.u32 $0xB, s11;
	v7 =	vadd.s32 v2, v6  }
0x198: {  	s13 =	smul.u32 $0x14, s5;
	v9 =	vadd.s32 v0, v5  }
0x199: {  	v6 =	vshrl.u32 v9, $0x4  }
0x19a: {  	s4 =	sadd.s32 $0x10, s10;
	s10 =	simm.s32 $0x0;
	v6 =	vor.u32 s13, v6  }
0x19b: {  	[tilespmem:s4+$0x0] =	vst v8;
	v8 =	vadd.s32 s10, v6  }
0x19c: {  	v10 =	vld.idx.msk [tilespmem:v7+s6+$0x0], $0xffff;
	v7 =	vand.u32 $0xF, v9;
	v8 =	vshll.u32 v8, $0x4  }
0x19d: {  	v8 =	vor.u32 v7, v8;
	_ =	sdelay $0x2  }
0x19e: {  	s10 =	simm.s32 $0x1  }
0x19f: {  	v9 =	vadd.s32 s10, v6;
	[tilespmem:s12+$0x11C] =	vst v10  }
0x1a0: {  	v9 =	vshll.u32 v9, $0x4;
	v8 =	vld.idx.msk [tilespmem:v8+s6+$0x0], $0xffff  }
0x1a1: {  	v10 =	vor.u32 v7, v9;
	_ =	sdelay $0x1  }
0x1a2: {  	s5 =	smul.u32 $0x4C0, s5;
	_ =	sdelay $0x1  }
0x1a3: {  	s4 =	sshra.s32 s5, $0x2;
	s10 =	simm.s32 $0x2;
	[tilespmem:s21+$0x0] =	vst v8  }
0x1a4: {  	s12 =	sadd.s32 s4, s1;
	v9 =	vadd.s32 s10, v6;
	s4 =	simm.s32 $0x3;
	s10 =	smov.u32 s21;
	v8 =	vld.idx.msk [tilespmem:v10+s6+$0x0], $0xffff  }
.LBB2_37:
0x1a5: {  	p1 =	sne.s32 s4, $0x11;
	v9 =	vshll.u32 v9, $0x4  }
0x1a6: {  	v10 =	vor.u32 v7, v9  }
.Ltmp17:
0x1a7: {  	(pc) =	sbr.rel @p1 .LBB2_37-.Ltmp17, $4  }
0x1a8: {  	_ = 	snop  }
0x1a9: {  	s10 =	sadd.s32 $0x10, s10  }
0x1aa: {  	[tilespmem:s10+$0x0] =	vst v8  }
0x1ab: {  	v9 =	vadd.s32 s4, v6;
	s4 =	sadd.s32 $0x1, s4;
	v8 =	vld.idx.msk [tilespmem:v10+s6+$0x0], $0xffff  }
0x1ac: {  	v6 =	vshll.u32 v9, $0x4  }
0x1ad: {  	s4 =	sadd.s32 $0x11, s13;
	v6 =	vor.u32 v7, v6  }
0x1ae: {  	v7 =	vmov s4  }
0x1af: {  	v7 =	vshll.u32 v7, $0x4  }
0x1b0: {  	s10 =	sadd.s32 $0x10, s10;
	v7 =	vbroadcast v7, $0x0  }
0x1b1: {  	[tilespmem:s10+$0x0] =	vst v8  }
0x1b2: {  	v8 =	vld.idx.msk [tilespmem:v6+s6+$0x0], $0xffff;
	v6 =	vadd.s32 v5, v7;
	v5 =	vbroadcast v4, $0xC  }
0x1b3: {  	s5 =	sor.u32 $0xC, s11;
	v7 =	vadd.s32 v2, v6  }
0x1b4: {  	s13 =	smul.u32 $0x14, s5;
	v9 =	vadd.s32 v0, v5  }
0x1b5: {  	v6 =	vshrl.u32 v9, $0x4  }
0x1b6: {  	s4 =	sadd.s32 $0x10, s10;
	s10 =	simm.s32 $0x0;
	v6 =	vor.u32 s13, v6  }
0x1b7: {  	[tilespmem:s4+$0x0] =	vst v8;
	v8 =	vadd.s32 s10, v6  }
0x1b8: {  	v10 =	vld.idx.msk [tilespmem:v7+s6+$0x0], $0xffff;
	v7 =	vand.u32 $0xF, v9;
	v8 =	vshll.u32 v8, $0x4  }
0x1b9: {  	v8 =	vor.u32 v7, v8;
	_ =	sdelay $0x2  }
0x1ba: {  	s10 =	simm.s32 $0x1  }
0x1bb: {  	v9 =	vadd.s32 s10, v6;
	[tilespmem:s12+$0x11C] =	vst v10  }
0x1bc: {  	v9 =	vshll.u32 v9, $0x4;
	v8 =	vld.idx.msk [tilespmem:v8+s6+$0x0], $0xffff  }
0x1bd: {  	v10 =	vor.u32 v7, v9;
	_ =	sdelay $0x1  }
0x1be: {  	s5 =	smul.u32 $0x4C0, s5;
	_ =	sdelay $0x1  }
0x1bf: {  	s4 =	sshra.s32 s5, $0x2;
	s10 =	simm.s32 $0x2;
	[tilespmem:s20+$0x0] =	vst v8  }
0x1c0: {  	s12 =	sadd.s32 s4, s1;
	v9 =	vadd.s32 s10, v6;
	s4 =	simm.s32 $0x3;
	s10 =	smov.u32 s20;
	v8 =	vld.idx.msk [tilespmem:v10+s6+$0x0], $0xffff  }
.LBB2_39:
0x1c1: {  	p1 =	sne.s32 s4, $0x11;
	v9 =	vshll.u32 v9, $0x4  }
0x1c2: {  	v10 =	vor.u32 v7, v9  }
.Ltmp18:
0x1c3: {  	(pc) =	sbr.rel @p1 .LBB2_39-.Ltmp18, $4  }
0x1c4: {  	_ = 	snop  }
0x1c5: {  	s10 =	sadd.s32 $0x10, s10  }
0x1c6: {  	[tilespmem:s10+$0x0] =	vst v8  }
0x1c7: {  	v9 =	vadd.s32 s4, v6;
	s4 =	sadd.s32 $0x1, s4;
	v8 =	vld.idx.msk [tilespmem:v10+s6+$0x0], $0xffff  }
0x1c8: {  	v6 =	vshll.u32 v9, $0x4  }
0x1c9: {  	s4 =	sadd.s32 $0x11, s13;
	v6 =	vor.u32 v7, v6  }
0x1ca: {  	v7 =	vmov s4  }
0x1cb: {  	v7 =	vshll.u32 v7, $0x4  }
0x1cc: {  	s10 =	sadd.s32 $0x10, s10;
	v7 =	vbroadcast v7, $0x0  }
0x1cd: {  	[tilespmem:s10+$0x0] =	vst v8  }
0x1ce: {  	v8 =	vld.idx.msk [tilespmem:v6+s6+$0x0], $0xffff;
	v6 =	vadd.s32 v5, v7;
	v5 =	vbroadcast v4, $0xD  }
0x1cf: {  	s5 =	sor.u32 $0xD, s11;
	v7 =	vadd.s32 v2, v6  }
0x1d0: {  	s13 =	smul.u32 $0x14, s5;
	v9 =	vadd.s32 v0, v5  }
0x1d1: {  	v6 =	vshrl.u32 v9, $0x4  }
0x1d2: {  	s4 =	sadd.s32 $0x10, s10;
	s10 =	simm.s32 $0x0;
	v6 =	vor.u32 s13, v6  }
0x1d3: {  	[tilespmem:s4+$0x0] =	vst v8;
	v8 =	vadd.s32 s10, v6  }
0x1d4: {  	v10 =	vld.idx.msk [tilespmem:v7+s6+$0x0], $0xffff;
	v7 =	vand.u32 $0xF, v9;
	v8 =	vshll.u32 v8, $0x4  }
0x1d5: {  	v8 =	vor.u32 v7, v8;
	_ =	sdelay $0x2  }
0x1d6: {  	s10 =	simm.s32 $0x1  }
0x1d7: {  	v9 =	vadd.s32 s10, v6;
	[tilespmem:s12+$0x11C] =	vst v10  }
0x1d8: {  	v9 =	vshll.u32 v9, $0x4;
	v8 =	vld.idx.msk [tilespmem:v8+s6+$0x0], $0xffff  }
0x1d9: {  	v10 =	vor.u32 v7, v9;
	_ =	sdelay $0x1  }
0x1da: {  	s5 =	smul.u32 $0x4C0, s5;
	_ =	sdelay $0x1  }
0x1db: {  	s4 =	sshra.s32 s5, $0x2;
	s10 =	simm.s32 $0x2;
	[tilespmem:s19+$0x0] =	vst v8  }
0x1dc: {  	s12 =	sadd.s32 s4, s1;
	v9 =	vadd.s32 s10, v6;
	s4 =	simm.s32 $0x3;
	s10 =	smov.u32 s19;
	v8 =	vld.idx.msk [tilespmem:v10+s6+$0x0], $0xffff  }
.LBB2_41:
0x1dd: {  	p1 =	sne.s32 s4, $0x11;
	v9 =	vshll.u32 v9, $0x4  }
0x1de: {  	v10 =	vor.u32 v7, v9  }
.Ltmp19:
0x1df: {  	(pc) =	sbr.rel @p1 .LBB2_41-.Ltmp19, $4  }
0x1e0: {  	_ = 	snop  }
0x1e1: {  	s10 =	sadd.s32 $0x10, s10  }
0x1e2: {  	[tilespmem:s10+$0x0] =	vst v8  }
0x1e3: {  	v9 =	vadd.s32 s4, v6;
	s4 =	sadd.s32 $0x1, s4;
	v8 =	vld.idx.msk [tilespmem:v10+s6+$0x0], $0xffff  }
0x1e4: {  	v6 =	vshll.u32 v9, $0x4  }
0x1e5: {  	s4 =	sor.u32 $0x11, s13;
	v6 =	vor.u32 v7, v6  }
0x1e6: {  	v7 =	vmov s4  }
0x1e7: {  	v7 =	vshll.u32 v7, $0x4  }
0x1e8: {  	s10 =	sadd.s32 $0x10, s10;
	v7 =	vbroadcast v7, $0x0  }
0x1e9: {  	[tilespmem:s10+$0x0] =	vst v8  }
0x1ea: {  	v8 =	vld.idx.msk [tilespmem:v6+s6+$0x0], $0xffff;
	v6 =	vadd.s32 v5, v7;
	v5 =	vbroadcast v4, $0xE  }
0x1eb: {  	s5 =	sor.u32 $0xE, s11;
	v7 =	vadd.s32 v2, v6  }
0x1ec: {  	s13 =	smul.u32 $0x14, s5;
	v9 =	vadd.s32 v0, v5  }
0x1ed: {  	v6 =	vshrl.u32 v9, $0x4  }
0x1ee: {  	s4 =	sadd.s32 $0x10, s10;
	s10 =	simm.s32 $0x0;
	v6 =	vor.u32 s13, v6  }
0x1ef: {  	[tilespmem:s4+$0x0] =	vst v8;
	v8 =	vadd.s32 s10, v6  }
0x1f0: {  	v10 =	vld.idx.msk [tilespmem:v7+s6+$0x0], $0xffff;
	v7 =	vand.u32 $0xF, v9;
	v8 =	vshll.u32 v8, $0x4  }
0x1f1: {  	v8 =	vor.u32 v7, v8;
	_ =	sdelay $0x2  }
0x1f2: {  	s10 =	simm.s32 $0x1  }
0x1f3: {  	v9 =	vadd.s32 s10, v6;
	[tilespmem:s12+$0x11C] =	vst v10  }
0x1f4: {  	v9 =	vshll.u32 v9, $0x4;
	v8 =	vld.idx.msk [tilespmem:v8+s6+$0x0], $0xffff  }
0x1f5: {  	v10 =	vor.u32 v7, v9;
	_ =	sdelay $0x1  }
0x1f6: {  	s5 =	smul.u32 $0x4C0, s5;
	_ =	sdelay $0x1  }
0x1f7: {  	s4 =	sshra.s32 s5, $0x2;
	s10 =	simm.s32 $0x2;
	[tilespmem:s18+$0x0] =	vst v8  }
0x1f8: {  	s12 =	sadd.s32 s4, s1;
	v9 =	vadd.s32 s10, v6;
	s4 =	simm.s32 $0x3;
	s10 =	smov.u32 s18;
	v8 =	vld.idx.msk [tilespmem:v10+s6+$0x0], $0xffff  }
.LBB2_43:
0x1f9: {  	p1 =	sne.s32 s4, $0x11;
	v9 =	vshll.u32 v9, $0x4  }
0x1fa: {  	v10 =	vor.u32 v7, v9  }
.Ltmp20:
0x1fb: {  	(pc) =	sbr.rel @p1 .LBB2_43-.Ltmp20, $4  }
0x1fc: {  	_ = 	snop  }
0x1fd: {  	s10 =	sadd.s32 $0x10, s10  }
0x1fe: {  	[tilespmem:s10+$0x0] =	vst v8  }
0x1ff: {  	v9 =	vadd.s32 s4, v6;
	s4 =	sadd.s32 $0x1, s4;
	v8 =	vld.idx.msk [tilespmem:v10+s6+$0x0], $0xffff  }
0x200: {  	v6 =	vshll.u32 v9, $0x4  }
0x201: {  	s4 =	sadd.s32 $0x11, s13;
	v6 =	vor.u32 v7, v6  }
0x202: {  	v7 =	vmov s4  }
0x203: {  	v7 =	vshll.u32 v7, $0x4  }
0x204: {  	s10 =	sadd.s32 $0x10, s10;
	v7 =	vbroadcast v7, $0x0  }
0x205: {  	[tilespmem:s10+$0x0] =	vst v8  }
0x206: {  	v4 =	vbroadcast v4, $0xF;
	v5 =	vadd.s32 v5, v7;
	v6 =	vld.idx.msk [tilespmem:v6+s6+$0x0], $0xffff  }
0x207: {  	s5 =	sor.u32 $0xF, s11;
	v7 =	vadd.s32 v2, v5  }
0x208: {  	s13 =	smul.u32 $0x14, s5;
	v8 =	vadd.s32 v0, v4  }
0x209: {  	v5 =	vshrl.u32 v8, $0x4  }
0x20a: {  	s11 =	simm.s32 $0x0;
	s4 =	sadd.s32 $0x10, s10;
	v5 =	vor.u32 s13, v5  }
0x20b: {  	v9 =	vadd.s32 s11, v5;
	[tilespmem:s4+$0x0] =	vst v6  }
0x20c: {  	v6 =	vand.u32 $0xF, v8;
	v8 =	vshll.u32 v9, $0x4;
	v7 =	vld.idx.msk [tilespmem:v7+s6+$0x0], $0xffff  }
0x20d: {  	v8 =	vor.u32 v6, v8;
	_ =	sdelay $0x2  }
0x20e: {  	s10 =	simm.s32 $0x1  }
0x20f: {  	[tilespmem:s12+$0x11C] =	vst v7;
	v7 =	vadd.s32 s10, v5  }
0x210: {  	v8 =	vld.idx.msk [tilespmem:v8+s6+$0x0], $0xffff;
	v7 =	vshll.u32 v7, $0x4  }
0x211: {  	v7 =	vor.u32 v6, v7;
	_ =	sdelay $0x1  }
0x212: {  	s11 =	smul.u32 $0x4C0, s5;
	_ =	sdelay $0x1  }
0x213: {  	s4 =	sshra.s32 s11, $0x2;
	s12 =	simm.s32 $0x2;
	[tilespmem:s17+$0x0] =	vst v8  }
0x214: {  	s11 =	sadd.s32 s4, s1;
	s4 =	simm.s32 $0x3;
	s10 =	smov.u32 s17;
	v8 =	vadd.s32 s12, v5;
	v7 =	vld.idx.msk [tilespmem:v7+s6+$0x0], $0xffff  }
.LBB2_45:
0x215: {  	p1 =	sne.s32 s4, $0x11;
	v8 =	vshll.u32 v8, $0x4  }
0x216: {  	v9 =	vor.u32 v6, v8  }
.Ltmp21:
0x217: {  	(pc) =	sbr.rel @p1 .LBB2_45-.Ltmp21, $4  }
0x218: {  	_ = 	snop  }
0x219: {  	s10 =	sadd.s32 $0x10, s10  }
0x21a: {  	[tilespmem:s10+$0x0] =	vst v7  }
0x21b: {  	v8 =	vadd.s32 s4, v5;
	s4 =	sadd.s32 $0x1, s4;
	v7 =	vld.idx.msk [tilespmem:v9+s6+$0x0], $0xffff  }
0x21c: {  	v5 =	vshll.u32 v8, $0x4  }
0x21d: {  	s4 =	sor.u32 $0x11, s13;
	v5 =	vor.u32 v6, v5  }
0x21e: {  	v63 =	vmov s4  }
0x21f: {  	v6 =	vshll.u32 v63, $0x4  }
0x220: {  	s13 =	sadd.s32 $0x10, s10;
	v6 =	vbroadcast v6, $0x0  }
0x221: {  	[tilespmem:s13+$0x0] =	vst v7  }
0x222: {  	v4 =	vadd.s32 v4, v6;
	v5 =	vld.idx.msk [tilespmem:v5+s6+$0x0], $0xffff  }
0x223: {  	v4 =	vadd.s32 v2, v4;
	_ =	sdelay $0x2  }
0x224: {  	s4 =	sadd.s32 $0x10, s13  }
0x225: {  	s8 =	sadd.s32 $0x1, s8;
	[tilespmem:s4+$0x0] =	vst v5  }
0x226: {  	s2 =	sadd.s32 $0x1300, s2;
	s0 =	sadd.s32 $0x1300, s0;
	p1 =	sne.s32 s8, $0x5;
	v4 =	vld.idx.msk [tilespmem:v4+s6+$0x0], $0xffff  }
.Ltmp22:
0x227: {  	s31 =	sadd.s32 $0x1300, s31;
	s30 =	sadd.s32 $0x1300, s30;
	(pc) =	sbr.rel @p1 .LBB2_14-.Ltmp22, $4  }
0x228: {  	s29 =	sadd.s32 $0x1300, s29;
	s28 =	sadd.s32 $0x1300, s28;
	s26 =	sadd.s32 $0x1300, s26  }
0x229: {  	s25 =	sadd.s32 $0x1300, s25;
	s24 =	sadd.s32 $0x1300, s24;
	s23 =	sadd.s32 $0x1300, s23  }
0x22a: {  	s22 =	sadd.s32 $0x1300, s22;
	s21 =	sadd.s32 $0x1300, s21;
	s20 =	sadd.s32 $0x1300, s20  }
0x22b: {  	s19 =	sadd.s32 $0x1300, s19;
	s18 =	sadd.s32 $0x1300, s18;
	s17 =	sadd.s32 $0x1300, s17;
	[tilespmem:s11+$0x11C] =	vst v4  }
0x22c: {  	s0 =	smul.u32 $0x50, s14  }
0x22d: {  	p1 =	sne.s32 s16, $0x14  }
.Ltmp23:
0x22e: {  	s0 =	sadd.s32 s3, s0;
	(pc) =	sbr.rel @p1 .LBB2_6-.Ltmp23, $4  }
0x22f: {  	s0 =	smul.u32 $0x26, s0  }
0x230: {  	s2 =	sor.u32 $0x4, s15;
	s4 =	rddreg [dreg:$0x1];
	s31 =	simm.s32 $0x0  }
0x231: {  	p0 =	por !p0, !p0;
	s14 =	smov.u32 s16;
	s0 =	sadd.s32 s4, s0  }
0x232: {  	[hbm4b:s0+s31] =	stream.linear.scatter [tilespmem:s1], [sflag:s2], $0x5F00, $0x38;
	[tilespmem:$0x198C0] =	vst v63  }
0x233: {  	s0 =	simm.s32 $0x4  }
0x234: {  	_ =	swait.ge [sflag:s0], $0x5F00  }
0x235: {  	[sflag:s0] =	ssyncset.done $0x0  }
0x236: {  	s1 =	simm.s32 $0x5;
	[sflag:s0] =	ssyncadd.s32 $0xFFFFA100  }
0x237: {  	_ =	swait.ge [sflag:s1], $0x5F00  }
0x238: {  	s2 =	rddreg [dreg:$0x6]  }
0x239: {  	s31 =	rddreg [dreg:$0x5];
	s2 =	sadd.s32 $0x1, s2  }
0x23a: {  	p0 =	sne.s32 s2, s31  }
.Ltmp24:
0x23b: {  	_ = 	snop;
	(pc) =	sbr.rel @p0 .LBB2_1-.Ltmp24, $3  }
0x23c: {  	_ =	sdelay $0x1  }
0x23d: {  	[sflag:s1] =	ssyncset.done $0x0  }
0x23e: {  	[sflag:s1] =	ssyncadd.s32 $0xFFFFA100  }
0x23f: {  	_ =	sfence.sel $0x180000  }
0x240: {  	[bflag:$0x0] =	sbarrier.arrive $0xFFFF  }
0x241: {  	_ =	strace $0x90000047  }
0x242: {  	s0 =	stileid.u32;
	[bflag:$0x2] =	sbarrier.arrive $0xFFFF  }
0x243: {  	p0 =	sne.s32 s0, $0x0;
	s0 =	rddreg [dreg:$0x2]  }
0x244: {  	s0 =	sadd.s32 @!p0 $0x100000, s0  }
0x245: {  	[sflag:s0] =	ssyncadd.tile.s32 @!p0 $0x1;
	_ =	shalt  }
.Lfunc_end2:
_tile_overlayer_lowered:
.L_overlay_start_2:
0x246: {  	(tag) =	ssettag $0x2  }
0x247: {  	s0 =	rddreg [dreg:$0x0];
	s2 =	stileid.u32  }
0x248: {  	s1 =	rddreg [dreg:$0x1];
	p0 =	sne.s32 s2, $0x0  }
0x249: {  	s3 =	rddreg [dreg:$0x2];
	[bflag:$0x3] =	sbarrier.arrive $0xFFFF;
	s2 =	simm.s32 @!p0 $0x1C06  }
0x24a: {  	[timem:s3], [sflag:s2] =	dma.local @!p0 [hbm:s0], s1  }
0x24b: {  	s0 =	simm.s32 @!p0 $0x6  }
0x24c: {  	_ =	swait.ge @!p0 [sflag:s0], s1  }
0x24d: {  	s1 =	ssub.s32 @!p0 $0x0, s1;
	[sflag:s0] =	ssyncset.done @!p0 $0x0  }
0x24e: {  	[sflag:s0] =	ssyncadd.s32 @!p0 s1  }
0x24f: {  	[bflag:$0x3] =	sbarrier.arrive $0xFFFF  }
0x250: {  	_ =	shalt  }

// kernel: sparse-core-data-format-call.cloned.1.call-start
scs
called_computation_lowered:
.L_overlay_start_0:
0x0: {  	s2 =	sld [smem:$0x3FD9]  }
0x1: {  	s3 =	sld [smem:$0x3FFE];
	_ =	sdelay $0x1  }
0x2: {  	s1 =	srdreg.scid  }
0x3: {  	s0 =	sand.u32 $0x1, s1  }
0x4: {  	s18 =	sshll.u32 s0, $0xA;
	s2 =	sadd.s32 s3, s2  }
0x5: {  	s2 =	sadd.s32 s2, s18  }
0x6: {  	[smem:$0x3FC6] =	sst s2  }
0x7: {  	_ = 	snop  }
0x8: {  	s2 =	sld [smem:$0x3FD0];
	(tm) =	ssettm $0x1  }
0x9: {  	s19 =	sld [smem:$0x3FFB];
	_ =	sdelay $0x3  }
0xa: {  	_ =	strace s19  }
0xb: {  	s3 =	sld [smem:$0x3FFC];
	_ =	sdelay $0x3  }
0xc: {  	_ =	strace s3  }
0xd: {  	s3 =	sld [smem:$0x3FFD];
	_ =	sdelay $0x3  }
0xe: {  	_ =	strace s3  }
0xf: {  	_ =	strace $0x8FFFFFFF  }
0x10: {  	s20 =	sld [smem:$0x3FDB];
	_ =	sdelay $0x1  }
0x11: {  	s4 =	simm.s32 $_scs_section_size  }
0x12: {  	s5 =	simm.s32 $_size__tile_overlayer_lowered;
	s6 =	simm.s32 $_tile_overlayer_lowered  }
0x13: {  	s23 =	simm.s32 $0x1BFF;
	s22 =	sshll.u32 s6, $0x1;
	s3 =	sadd.s32 s4, s20  }
0x14: {  	s7 =	simm.s32 $0x0;
	s21 =	sshll.u32 s5, $0x1;
	s5 =	sadd.s32 s22, s3  }
0x15: {  	[timem:s7], [sflag:s23] =	dma.local [hbm:s5], s21  }
0x16: {  	_ =	swait.ge [sflag:s23], s21  }
0x17: {  	s4 =	ssub.s32 $0x0, s21;
	[sflag:s23] =	ssyncset.done $0x0  }
0x18: {  	[sflag:s23] =	ssyncadd.s32 s4;
	_ =	sdelay $0x1  }
0x19: {  	s24 =	simm.s32 $0x1B8B  }
0x1a: {  	_ =	swait.ge [sflag:s24], $0x1  }
0x1b: {  	[sflag:s24] =	ssyncset.done $0x0  }
0x1c: {  	s26 =	simm.s32 $0x1B8E;
	s25 =	sld [smem:$0x3FFE];
	[sflag:s24] =	ssyncadd.s32 $0xFFFFFFFF  }
0x1d: {  	s27 =	simm.s32 $execute0_lowered;
	[smem:$0x3FD2] =	sst s26  }
0x1e: {  	s5 =	sshll.u32 s27, $0x1;
	_ =	strace $0x80000049;
	[dreg:$0x1] =	wrdreg $0xFFFFFFFF  }
0x1f: {  	s28 =	simm.s32 $_size_execute0_lowered;
	s3 =	sadd.s32 s3, s5;
	[dreg:$0x0] =	wrdreg $0x0  }
0x20: {  	s5 =	sshll.u32 s28, $0x1;
	[dreg:$0x2] =	wrdreg s3  }
0x21: {  	[dreg:$0x3] =	wrdreg s5  }
0x22: {  	[dreg:$0x4] =	wrdreg $0xC0  }
0x23: {  	_ =	task [dreg:s7], $0x5FFFF  }
0x24: {  	[dreg:$0x1] =	wrdreg $0xFFFFFFFF  }
0x25: {  	[dreg:$0x0] =	wrdreg $0x60  }
0x26: {  	[dreg:$0x2] =	wrdreg s25  }
0x27: {  	[dreg:$0x3] =	wrdreg s2  }
0x28: {  	[dreg:$0x4] =	wrdreg $0x9  }
0x29: {  	_ =	task.clear_ibuf [dreg:s7], $0x5FFFF;
	_ =	strace $0x90000049  }
0x2a: {  	s29 =	simm.s32 $0x9;
	_ =	strace $0x8000004B  }
0x2b: {  	_ =	swait.ge [sflag:s29], $0x1  }
0x2c: {  	[sflag:s29] =	ssyncadd.s32 $0xFFFFFFFF  }
0x2d: {  	_ =	strace $0x9000004B  }
0x2e: {  	_ =	sfence  }
0x2f: {  	s30 =	sld [smem:$0x0];
	_ =	sdelay $0x2  }
0x30: {  	s31 =	sshll.u32 s1, $0xD;
	s1 =	sshrl.u32 s1, $0x2  }
0x31: {  	s3 =	sand.u32 $0x4000, s31;
	s1 =	sadd.s32 s1, s30  }
0x32: {  	s0 =	sor.u32 s3, s0;
	s1 =	sshll.u32 s1, $0x11  }
0x33: {  	s0 =	sor.u32 s1, s0  }
0x34: {  	s0 =	sadd.s32 $0x8F2B, s0  }
0x35: {  	[sflag:s0] =	ssyncadd.remote.s32 $0x1  }
0x36: {  	_ =	sfence.sel $0xFFFF  }
0x37: {  	[dreg:$0x0] =	wrdreg $0xFFFFFFFF;
	(pc) =	sbr.abs _section_cstart, $3  }
0x38: {  	[dreg:$0x1] =	wrdreg $0xFFFFFFFF  }
0x39: {  	_ =	task.clear_ibuf [dreg:s7], $0x2FFFF;
	_ =	strace $0x9FFFFFFF  }
0x3a: {  	(tm) =	ssettm $0x7FFFFFFF  }
0x3b: {  	_ =	shalt  }
tec
execute0_lowered:
.L_overlay_start_1:
0x0: {  	(tag) =	ssettag $0x1  }
0x1: {  	s0 =	stileid.u32  }
0x2: {  	s1 =	srdreg.scid;
	s7 =	rddreg [dreg:$0x0]  }
0x3: {  	s8 =	simm.s32 $0x2;
	s17 =	simm.s32 $0x0;
	s2 =	sshll.u32 s0, $0x7  }
0x4: {  	s9 =	simm.s32 $0x2000;
	s3 =	sshll.u32 s1, $0x4;
	s1 =	sand.u32 $0x380, s2  }
0x5: {  	s19 =	simm.s32 $0x0;
	s30 =	sand.u32 $0x10, s3;
	s31 =	ssub.s32 $0x400, s1  }
0x6: {  	s18 =	simm.s32 $0x0;
	s2 =	sor.u32 s0, s30;
	s4 =	sand.u32 $0x380, s31  }
0x7: {  	s2 =	sshrl.u32 s2, $0x3;
	p0 =	sne.s32 s4, $0x0;
	s4 =	simm.s32 $0x1  }
0x8: {  	s3 =	sshrl.u32 s31, $0xA;
	s5 =	ssub.s32 $0x35, s2;
	s4 =	simm.s32 @!p0 $0x0  }
0x9: {  	s10 =	simm.s32 $0x0;
	s5 =	sshrl.u32 s5, $0x2;
	s3 =	sadd.s32 s4, s3  }
0xa: {  	s11 =	simm.s32 $0x0;
	s12 =	simm.s32 $0x0;
	s6 =	smul.u32 s3, s5  }
.Ltmp0:
0xb: {  	s13 =	simm.s32 $0x0;
	s4 =	rddreg [dreg:$0x1];
	(pc) =	sbr.rel .LBB1_1-.Ltmp0, $4  }
0xc: {  	s16 =	simm.s32 $0x0;
	s7 =	sadd.s32 $0x258A00, s7;
	s3 =	rddreg [dreg:$0x2]  }
0xd: {  	_ =	strace $0x8000004A;
	s5 =	simm.s32 $0x1;
	s6 =	smul.u32 $0x3, s6  }
0xe: {  	s15 =	smov.u32 s1;
	s14 =	smov.u32 s2;
	[sflag:s5] =	ssyncpa.u1 $0x0  }
0xf: {  	p0 =	por $0x0, $0x0;
	[sflag:s8] =	ssyncpa.u1 $0x0;
	s8 =	sadd.s32 $0x1, s6  }
.LBB1_4:
0x10: {  	s25 =	sshll.u32 s10, $0xA;
	s24 =	sshra.s32 s24, $0x2;
	s26 =	sshll.u32 s12, $0x3  }
0x11: {  	p1 =	sgt.s32 s11, $0x31;
	s27 =	smov.u32 s11;
	s28 =	sshra.s32 s11, $0x1F  }
0x12: {  	p2 =	sgt.s32 s12, $0x380;
	s31 =	sshra.s32 s12, $0x1F;
	s25 =	sand.u32 $0xFFFFE000, s25  }
0x13: {  	s26 =	sand.u32 $0xFFFFFC00, s26;
	s27 =	simm.s32 @!p1 $0x31;
	s28 =	sand.u32 s28, s11  }
0x14: {  	[tilespmem:s22+$0x2040 ss:$0x81] =	vst.msk $0xffff, v4;
	s23 =	sadd.s32 s24, s23;
	s29 =	sadd.s32 s26, s25;
	s25 =	ssub.s32 s27, s28  }
0x15: {  	[tilespmem:s22+$0x2850 ss:$0x81] =	vst.msk $0xffff, v3;
	s27 =	smov.u32 s12;
	s28 =	smov.u32 s10;
	s26 =	sand.u32 s31, s12  }
0x16: {  	[tilespmem:s22+$0x3060 ss:$0x81] =	vst.msk $0xffff, v2;
	s24 =	sshrl.u32 s29, $0xA;
	s30 =	sadd.s32 $0xFFFFFFCF, s25;
	s27 =	simm.s32 @!p2 $0x380  }
0x17: {  	v5 =	vld [tilespmem:s21+$0xFFFFFFD0];
	[tilespmem:s22+$0x0 ss:$0x81] =	vst.msk $0xffff, v1;
	p2 =	sgt.s32 s10, $0xB0;
	s29 =	sshra.s32 s10, $0x1F;
	s22 =	ssub.s32 $0x32, s25  }
0x18: {  	v58 =	vld [tilespmem:s21+$0xFFFFFFE0];
	p1 =	sgt.s32 s30, $0x0;
	s28 =	simm.s32 @!p2 $0xB0;
	s29 =	sand.u32 s29, s10  }
0x19: {  	v59 =	vld [tilespmem:s21+$0xFFFFFFF0];
	s26 =	ssub.s32 s27, s26;
	s27 =	smulhi.u32 $0xD79436, s24;
	s28 =	ssub.s32 s28, s29  }
0x1a: {  	v60 =	vld [tilespmem:s21+$0x0];
	s30 =	sadd.s32 $0xFFFFFC80, s26;
	s25 =	ssub.s32 $0x400, s26;
	s22 =	simm.s32 @p1 $0x0  }
0x1b: {  	v61 =	vld [tilespmem:s21+$0x10];
	[tilespmem:s23+$0x3870 ss:$0x81] =	vst.msk $0xffff, v0;
	s29 =	sand.u32 $0x78, s12;
	p2 =	sgt.s32 s30, $0x7F;
	s31 =	sadd.s32 $0xFFFFFF50, s28  }
0x1c: {  	v62 =	vld [tilespmem:s21+$0x20];
	[tilespmem:s23+$0x810 ss:$0x81] =	vst.msk $0xffff, v5;
	s27 =	smul.u32 $0x130, s27;
	s30 =	sshll.u32 s10, $0x7;
	s28 =	ssub.s32 $0x130, s28  }
0x1d: {  	v63 =	vld [tilespmem:s21+$0xFFFFFFC0];
	[tilespmem:s23+$0x1020 ss:$0x81] =	vst.msk $0xffff, v58;
	s25 =	simm.s32 @p2 $0x0;
	p1 =	sgt.s32 s31, $0x7F;
	s31 =	smul.u32 $0x9800, s11  }
0x1e: {  	[tilespmem:s23+$0x1830 ss:$0x81] =	vst.msk $0xffff, v59;
	s21 =	sand.u32 $0x380, s30;
	s22 =	smul.u32 s25, s22;
	s28 =	simm.s32 @p1 $0x0  }
0x1f: {  	[tilespmem:s23+$0x2040 ss:$0x81] =	vst.msk $0xffff, v60;
	s21 =	sor.u32 s29, s21;
	s24 =	ssub.s32 s24, s27;
	s29 =	sand.u32 $0x7, s12  }
0x20: {  	[tilespmem:s23+$0x2850 ss:$0x81] =	vst.msk $0xffff, v61;
	s21 =	sshrl.u32 s21, $0x3;
	s25 =	sadd.s32 s4, s31;
	s22 =	smul.u32 s28, s22  }
0x21: {  	[tilespmem:s23+$0x3060 ss:$0x81] =	vst.msk $0xffff, v62;
	s24 =	sshll.u32 s24, $0x7;
	s30 =	sshll.u32 s29, $0x12;
	s21 =	sadd.s32 s21, s25  }
0x22: {  	[tilespmem:s23+$0x0 ss:$0x81] =	vst.msk $0xffff, v63;
	s31 =	sor.u32 $0x400, s30;
	s21 =	sadd.s32 s24, s21;
	s22 =	sand.u32 $0x3FFFFFFF, s22  }
0x23: {  	[hbm4b:s21+s31] =	stream.strided.scatter [tilespmem:s20], [sflag:$0x2], s22, s9, s31, $0x20;
	[tilespmem:$0x10100] =	vst v63  }
.LBB1_5:
0x24: {  	p1 =	slt.u32 s16, $0x2  }
0x25: {  	p2 =	sgt.s32 @!p1 s19, $0x31  }
0x26: {  	s20 =	smov.u32 s19;
	s21 =	sshra.s32 @!p1 s19, $0x1F;
	p2 =	por !p2, p1  }
0x27: {  	s19 =	sand.u32 @!p1 s21, s19;
	s20 =	simm.s32 @p2 $0x31  }
0x28: {  	p3 =	sgt.s32 @!p1 s18, $0x380;
	s19 =	ssub.s32 @!p1 s20, s19  }
0x29: {  	p3 =	por !p3, p1;
	s21 =	sshra.s32 @!p1 s18, $0x1F;
	s20 =	sadd.s32 @!p1 $0xFFFFFFCF, s19  }
0x2a: {  	s19 =	ssub.s32 @!p1 $0x32, s19;
	p2 =	sgt.s32 @!p1 s20, $0x0;
	s20 =	smov.u32 s18  }
0x2b: {  	s18 =	sand.u32 @!p1 s21, s18;
	s20 =	simm.s32 @p3 $0x380;
	p3 =	sgt.s32 @!p1 s17, $0xB0  }
0x2c: {  	s21 =	smov.u32 s17;
	p2 =	por !p2, p1;
	p3 =	por !p3, p1  }
0x2d: {  	s18 =	ssub.s32 @!p1 s20, s18;
	s20 =	sshra.s32 @!p1 s17, $0x1F;
	s19 =	simm.s32 @!p2 $0x0  }
0x2e: {  	s21 =	simm.s32 @p3 $0xB0;
	s17 =	sand.u32 @!p1 s20, s17;
	s20 =	sadd.s32 @!p1 $0xFFFFFC80, s18  }
0x2f: {  	s18 =	ssub.s32 @!p1 $0x400, s18;
	s17 =	ssub.s32 @!p1 s21, s17;
	p2 =	sgt.s32 @!p1 s20, $0x7F  }
0x30: {  	s21 =	smov.u32 s14;
	s20 =	sadd.s32 @!p1 $0xFFFFFF50, s17;
	p2 =	por !p2, p1  }
0x31: {  	s17 =	ssub.s32 @!p1 $0x130, s17;
	p3 =	sgt.s32 @!p1 s20, $0x7F;
	s18 =	simm.s32 @!p2 $0x0  }
0x32: {  	s20 =	sadd.s32 $0x80, s13;
	p2 =	por !p3, p1;
	s18 =	smul.u32 @!p1 s18, s19  }
0x33: {  	s19 =	sadd.s32 $0x4, s14;
	s17 =	simm.s32 @!p2 $0x0;
	p2 =	sgt.s32 s20, $0x12B  }
0x34: {  	s22 =	smov.u32 s15;
	s21 =	smov.u32 @p2 s19  }
0x35: {  	s17 =	smul.u32 @!p1 s17, s18;
	s18 =	sadd.s32 $0x400, s15;
	p3 =	sgt.s32 s21, $0x31  }
0x36: {  	p0 =	por !p0, !p0;
	s23 =	simm.s32 @!p1 $0x2;
	s22 =	smov.u32 @p3 s18  }
0x37: {  	s20 =	simm.s32 @p2 $0x0;
	s19 =	smov.u32 s11;
	p2 =	sgt.s32 s22, $0x3FF  }
0x38: {  	s11 =	smov.u32 s14;
	s22 =	smov.u32 @p2 s1;
	p2 =	sne.s32 s16, s8  }
.Ltmp1:
0x39: {  	s17 =	sand.u32 @!p1 $0x3FFFFFFF, s17;
	s21 =	smov.u32 @p3 s2;
	(pc) =	sbr.rel @!p2 .LBB1_6-.Ltmp1, $4  }
0x3a: {  	s18 =	smov.u32 s12;
	s12 =	smov.u32 s15;
	_ =	swait.ge @!p1 [sflag:s23], s17  }
0x3b: {  	s24 =	ssub.s32 @!p1 $0x0, s17;
	s17 =	smov.u32 s10;
	s10 =	smov.u32 s13  }
0x3c: {  	s13 =	smov.u32 s20;
	s14 =	smov.u32 s21;
	[sflag:s23] =	ssyncset.done @!p1 $0x0  }
0x3d: {  	s16 =	sadd.s32 $0x1, s16;
	[sflag:s23] =	ssyncadd.s32 @!p1 s24;
	s15 =	smov.u32 s22  }
.LBB1_1:
0x3e: {  	p1 =	sge.u32 s16, s6  }
0x3f: {  	s20 =	sshrl.u32 @!p1 s14, $0x3  }
0x40: {  	s21 =	sshll.u32 @!p1 s13, $0x3;
	s20 =	smul.u32 @!p1 $0xC00, s20  }
0x41: {  	s22 =	sshll.u32 @!p1 s14, $0x7;
	s21 =	sand.u32 @!p1 $0xFFFFFC00, s21  }
0x42: {  	s20 =	sadd.s32 @!p1 s20, s21;
	s21 =	sand.u32 @!p1 $0x380, s22  }
0x43: {  	s20 =	sor.u32 @!p1 s21, s20  }
0x44: {  	s21 =	sand.u32 @!p1 $0x7F, s13;
	s22 =	smulhi.u32 @!p1 $0xAAAAAAAB, s20  }
0x45: {  	s20 =	sor.u32 @!p1 s21, s20  }
0x46: {  	s21 =	smulhi.u32 @!p1 $0xAAAAAAAB, s20;
	s22 =	sshrl.u32 @!p1 s22, $0x8  }
0x47: {  	s23 =	smulhi.u32 @!p1 $0x4924925, s22;
	_ =	sdelay $0x1  }
0x48: {  	s21 =	sshrl.u32 @!p1 s21, $0x8;
	s23 =	smul.u32 @!p1 $0x38, s23  }
0x49: {  	s31 =	sadd.s32 $0xFFFFFFFF, s16;
	s21 =	smul.u32 @!p1 $0x180, s21  }
0x4a: {  	s24 =	sxor.u32 @!p1 $0xFFFFFFFF, s16;
	s22 =	ssub.s32 @!p1 s22, s23;
	s23 =	smul.u32 @!p1 $0xA80, s15  }
0x4b: {  	s24 =	sshll.u32 @!p1 s24, $0xE;
	s20 =	ssub.s32 @!p1 s20, s21;
	s21 =	smul.u32 @!p1 $0x30, s22  }
0x4c: {  	s22 =	sand.u32 @!p1 $0x4000, s24;
	s24 =	sand.u32 @!p1 $0x7, s20;
	s23 =	sadd.s32 @!p1 s7, s23  }
0x4d: {  	s20 =	sshrl.u32 @!p1 s20, $0x3;
	s21 =	sadd.s32 @!p1 s21, s23;
	s23 =	sshll.u32 @!p1 s24, $0x12  }
0x4e: {  	s20 =	sadd.s32 @!p1 s20, s21;
	s21 =	sor.u32 @!p1 $0x80, s23;
	s23 =	simm.s32 @!p1 $0x5400  }
0x4f: {  	[tilespmem:s22], [sflag:$0x1] =	stream.strided.gather @!p1 [hbm4b:s20+s21], $0x4000, s23, s21, $0x38;
	[tilespmem:$0x10100] =	vst v63  }
0x50: {  	p1 =	sge.u32 s31, s6  }
.Ltmp2:
0x51: {  	_ = 	snop;
	(pc) =	sbr.rel @p1 .LBB1_5-.Ltmp2, $1  }
0x52: {  	_ =	sdelay $0x3  }
0x53: {  	s20 =	simm.s32 $0x1  }
0x54: {  	_ =	swait.ge [sflag:s5], $0x4000;
	s20 =	simm.s32 @!p0 $0x0  }
0x55: {  	[sflag:s5] =	ssyncset.done $0x0;
	s21 =	sshll.u32 s20, $0xE  }
0x56: {  	[sflag:s5] =	ssyncadd.s32 $0xFFFFC000;
	s21 =	sor.u32 $0x40, s21  }
0x57: {  	s20 =	smul.u32 $0x10200, s20;
	v0 =	vld [tilespmem:s21+$0x30]  }
0x58: {  	v1 =	vld [tilespmem:s21+$0xFFFFFFD0]  }
0x59: {  	s20 =	sshrl.u32 s20, $0x2;
	v5 =	vld [tilespmem:s21+$0xFFFFFFE0]  }
0x5a: {  	v6 =	vld [tilespmem:s21+$0xFFFFFFF0];
	s23 =	sor.u32 $0x8000, s20  }
0x5b: {  	s31 =	sand.u32 $0x1, s16;
	v4 =	vld [tilespmem:s21+$0x0];
	s22 =	sadd.s32 $0x0, s23  }
0x5c: {  	v3 =	vld [tilespmem:s21+$0x10];
	s20 =	smul.u32 $0x10200, s31;
	[tilespmem:s22+$0x3870 ss:$0x81] =	vst.msk $0xffff, v0  }
0x5d: {  	v2 =	vld [tilespmem:s21+$0x20];
	[tilespmem:s22+$0x810 ss:$0x81] =	vst.msk $0xffff, v1  }
0x5e: {  	s20 =	sshrl.u32 s20, $0x2;
	v1 =	vld [tilespmem:s21+$0xFFFFFFC0];
	[tilespmem:s22+$0x1020 ss:$0x81] =	vst.msk $0xffff, v5;
	s21 =	sadd.s32 $0x80, s21  }
0x5f: {  	s24 =	simm.s32 $0x4;
	s25 =	simm.s32 $0x8;
	s20 =	sor.u32 $0x8000, s20;
	[tilespmem:s22+$0x1830 ss:$0x81] =	vst.msk $0xffff, v6;
	v0 =	vld [tilespmem:s21+$0x30]  }
.LBB1_3:
0x60: {  	p1 =	sne.s32 s25, $0x1FC;
	v5 =	vld [tilespmem:s21+$0xFFFFFFD0];
	[tilespmem:s22+$0x2040 ss:$0x81] =	vst.msk $0xffff, v4  }
0x61: {  	v6 =	vld [tilespmem:s21+$0xFFFFFFE0];
	[tilespmem:s22+$0x2850 ss:$0x81] =	vst.msk $0xffff, v3  }
0x62: {  	s26 =	sshra.s32 s24, $0x2;
	s24 =	smov.u32 s25;
	v7 =	vld [tilespmem:s21+$0xFFFFFFF0];
	[tilespmem:s22+$0x3060 ss:$0x81] =	vst.msk $0xffff, v2  }
.Ltmp3:
0x63: {  	v4 =	vld [tilespmem:s21+$0x0];
	[tilespmem:s22+$0x0 ss:$0x81] =	vst.msk $0xffff, v1;
	s22 =	sadd.s32 s26, s23;
	(pc) =	sbr.rel @p1 .LBB1_3-.Ltmp3, $4  }
0x64: {  	v3 =	vld [tilespmem:s21+$0x10];
	[tilespmem:s22+$0x3870 ss:$0x81] =	vst.msk $0xffff, v0  }
0x65: {  	[tilespmem:s22+$0x810 ss:$0x81] =	vst.msk $0xffff, v5;
	v2 =	vld [tilespmem:s21+$0x20]  }
0x66: {  	v1 =	vld [tilespmem:s21+$0xFFFFFFC0];
	[tilespmem:s22+$0x1020 ss:$0x81] =	vst.msk $0xffff, v6;
	s21 =	sadd.s32 $0x80, s21  }
0x67: {  	s25 =	sadd.s32 $0x4, s25;
	v0 =	vld [tilespmem:s21+$0x30];
	[tilespmem:s22+$0x1830 ss:$0x81] =	vst.msk $0xffff, v7  }
.Ltmp4:
0x68: {  	_ = 	snop;
	(pc) =	sbr.rel .LBB1_4-.Ltmp4, $1  }
0x69: {  	_ =	sdelay $0x3  }
.LBB1_6:
0x6a: {  	_ =	sfence.sel $0x180000  }
0x6b: {  	s1 =	simm.s32 $0x1;
	[bflag:$0x0] =	sbarrier.arrive $0xFFFF  }
0x6c: {  	s31 =	simm.s32 $0x2;
	[sflag:s1] =	ssyncpa.u1 $0x1  }
0x6d: {  	[sflag:s31] =	ssyncpa.u1 $0x1  }
0x6e: {  	p0 =	sne.s32 s0, $0x0;
	_ =	strace $0x9000004A  }
0x6f: {  	s0 =	sadd.s32 @!p0 $0x100000, s3;
	[bflag:$0x2] =	sbarrier.arrive $0xFFFF  }
0x70: {  	[sflag:s0] =	ssyncadd.tile.s32 @!p0 $0x1;
	_ =	shalt  }
.Lfunc_end1:
_tile_overlayer_lowered:
.L_overlay_start_2:
0x71: {  	(tag) =	ssettag $0x2  }
0x72: {  	s0 =	rddreg [dreg:$0x0];
	s2 =	stileid.u32  }
0x73: {  	s1 =	rddreg [dreg:$0x1];
	p0 =	sne.s32 s2, $0x0  }
0x74: {  	s3 =	rddreg [dreg:$0x2];
	[bflag:$0x3] =	sbarrier.arrive $0xFFFF;
	s2 =	simm.s32 @!p0 $0x1C01  }
0x75: {  	[timem:s3], [sflag:s2] =	dma.local @!p0 [hbm:s0], s1  }
0x76: {  	s0 =	simm.s32 @!p0 $0x1  }
0x77: {  	_ =	swait.ge @!p0 [sflag:s0], s1  }
0x78: {  	s1 =	ssub.s32 @!p0 $0x0, s1;
	[sflag:s0] =	ssyncset.done @!p0 $0x0  }
0x79: {  	[sflag:s0] =	ssyncadd.s32 @!p0 s1  }
0x7a: {  	[bflag:$0x3] =	sbarrier.arrive $0xFFFF  }
0x7b: {  	_ =	shalt  }

</sc_bundles>
